<compile_context>
chip_gen: v7x
topology: tpu7x:2x2x1
jax: 0.10.2.dev20260603
libtpu: 0.0.44.dev20260713+nightly
codegen_flags: <defaults>
</compile_context>

<pallas_src>
import functools
import math

import jax
import jax.numpy as jnp
from jax import lax
from jax.experimental import pallas as pl
from jax.experimental.pallas import tpu as pltpu
from jax.experimental.pallas import tpu_sc as plsc

NUM_FIELDS = 26
VOCAB = 100000
EMBED_DIM = 32
HIDDEN = 2048
BATCH = 4096
TOTAL_DIM = NUM_FIELDS * EMBED_DIM

_NC = 2
_NS = 16
_NW = _NC * _NS
_K_PER_W = TOTAL_DIM // _NW
_HALF0 = 50048
_HALF1 = VOCAB - _HALF0


@functools.partial(
    pl.kernel,
    mesh=plsc.VectorSubcoreMesh(core_axis_name="c", subcore_axis_name="s"),
    compiler_params=pltpu.CompilerParams(needs_layout_passes=False),
    out_type=jax.ShapeDtypeStruct((TOTAL_DIM, BATCH), jnp.float32),
    scratch_types=[
        pltpu.VMEM((_HALF0,), jnp.float32),
        pltpu.VMEM((_HALF1,), jnp.float32),
        pltpu.VMEM((BATCH,), jnp.int32),
        pltpu.VMEM((BATCH,), jnp.float32),
        pltpu.VMEM((BATCH,), jnp.float32),
        pltpu.SemaphoreType.DMA,
        pltpu.SemaphoreType.DMA,
        pltpu.SemaphoreType.DMA,
    ],
)
def _sc_scan_gather(t3_hbm, idx_hbm, out_hbm, row_a, row_b, idx_v, g_a, g_b,
                    sem_a, sem_b, sem_o):
    wid = lax.axis_index("s") * _NC + lax.axis_index("c")
    k0 = wid * _K_PER_W

    def start_half(k, half, buf, sem):
        f = k // EMBED_DIM
        d = k % EMBED_DIM
        off, ln = (0, _HALF0) if half == 0 else (_HALF0, _HALF1)
        pltpu.async_copy(t3_hbm.at[f, d, pl.ds(off, ln)], buf, sem)

    def wait_half(half, buf, sem):
        off, ln = (0, _HALF0) if half == 0 else (_HALF0, _HALF1)
        pltpu.make_async_copy(t3_hbm.at[0, 0, pl.ds(off, ln)], buf, sem).wait()

    def gather_pass(buf, c0, ln, g_v, first):
        def body(i, c):
            ii = i * 16
            idx = idx_v[pl.ds(ii, 16)]
            local = idx if c0 == 0 else idx - c0
            local_u = plsc.bitcast(local, jnp.uint32)
            mask = local_u < jnp.uint32(ln)
            safe = plsc.bitcast(jnp.minimum(local_u, jnp.uint32(ln - 1)),
                                jnp.int32)
            vals = plsc.load_gather(buf, [safe])
            if first:
                g_v[pl.ds(ii, 16)] = vals
            else:
                g_v[pl.ds(ii, 16)] = jnp.where(mask, vals, g_v[pl.ds(ii, 16)])
            return c

        lax.fori_loop(0, BATCH // 16, body, 0, unroll=16)

    def per_pair(p, f_prev):
        def do_row(k, g_v, f_prev):
            f = k // EMBED_DIM

            @pl.when(f != f_prev)
            def _():
                pltpu.sync_copy(idx_hbm.at[f], idx_v)

            wait_half(0, row_a, sem_a)
            gather_pass(row_a, 0, _HALF0, g_v, True)
            k_next = jnp.minimum(k + 1, TOTAL_DIM - 1)
            start_half(k_next, 0, row_a, sem_a)
            wait_half(1, row_b, sem_b)
            gather_pass(row_b, _HALF0, _HALF1, g_v, False)
            start_half(k_next, 1, row_b, sem_b)
            pltpu.async_copy(g_v, out_hbm.at[k], sem_o)
            return f

        @pl.when(p > 0)
        def _():
            pltpu.make_async_copy(g_a, out_hbm.at[0], sem_o).wait()
            pltpu.make_async_copy(g_b, out_hbm.at[0], sem_o).wait()

        k = k0 + 2 * p
        f_prev = do_row(k, g_a, f_prev)
        f_prev = do_row(k + 1, g_b, f_prev)
        return f_prev

    start_half(k0, 0, row_a, sem_a)
    start_half(k0, 1, row_b, sem_b)
    lax.fori_loop(0, _K_PER_W // 2, per_pair, jnp.int32(-1))
    wait_half(0, row_a, sem_a)
    wait_half(1, row_b, sem_b)
    pltpu.make_async_copy(g_a, out_hbm.at[0], sem_o).wait()
    pltpu.make_async_copy(g_b, out_hbm.at[0], sem_o).wait()


_BM = 256


def _tc_body(xt_ref, w_ref, b_ref, g_ref, be_ref, o_ref):
    xt = xt_ref[...]
    h = lax.dot_general(
        xt, w_ref[...],
        dimension_numbers=(((0,), (0,)), ((), ())),
        preferred_element_type=jnp.float32,
    )
    h = h + b_ref[...]
    mean = jnp.mean(h, axis=-1, keepdims=True)
    xc = h - mean
    var = jnp.mean(xc * xc, axis=-1, keepdims=True)
    hn = xc * lax.rsqrt(var + 1e-5)
    hn = hn * g_ref[...] + be_ref[...]
    o_ref[...] = hn * 0.5 * (1.0 + lax.erf(hn * (1.0 / math.sqrt(2.0))))


def _project(xT, W, b, gamma, beta):
    return pl.pallas_call(
        _tc_body,
        grid=(BATCH // _BM,),
        in_specs=[
            pl.BlockSpec((TOTAL_DIM, _BM), lambda i: (0, i)),
            pl.BlockSpec((TOTAL_DIM, HIDDEN), lambda i: (0, 0)),
            pl.BlockSpec((1, HIDDEN), lambda i: (0, 0)),
            pl.BlockSpec((1, HIDDEN), lambda i: (0, 0)),
            pl.BlockSpec((1, HIDDEN), lambda i: (0, 0)),
        ],
        out_specs=pl.BlockSpec((_BM, HIDDEN), lambda i: (i, 0)),
        out_shape=jax.ShapeDtypeStruct((BATCH, HIDDEN), jnp.float32),
    )(xT, W, b.reshape(1, HIDDEN),
      gamma.reshape(1, HIDDEN), beta.reshape(1, HIDDEN))


def kernel(indices, tables, W, b, gamma, beta):
    t3 = jnp.transpose(tables, (0, 2, 1))
    idxT = indices.astype(jnp.int32).T
    xT = _sc_scan_gather(t3, idxT)
    return _project(xT, W, b, gamma, beta)

# --- scband reference (transcript-rebuilt; emitter-appended) ---
"""Pipeline reference for scband-feature-projector-9423158247840 (READ-ONLY COPY).

The authoritative reference and input builder live on the scoring server;
editing this copy changes nothing except your own understanding.
"""

import jax, jax.numpy as jnp
import numpy as np

NUM_FIELDS = 26
VOCAB = 100000
EMBED_DIM = 32
HIDDEN = 2048
BATCH = 4096


def setup_inputs(seed: int = 0) -> dict:
    key = jax.random.key(seed)
    ks = jax.random.split(key, 6)
    # forward arg: one column of category ids per sparse field (dict flattened to [B, F])
    indices = jax.random.randint(ks[0], (BATCH, NUM_FIELDS), 0, VOCAB, dtype=jnp.int64 if jax.config.jax_enable_x64 else jnp.int32)
    # learned params: one embedding table per field, stacked (all vocabs equal)
    tables = jax.random.normal(ks[1], (NUM_FIELDS, VOCAB, EMBED_DIM), dtype=jnp.float32)
    tables = tables.at[:, 0, :].set(0.0)  # padding_idx=0 rows are zero
    total_dim = NUM_FIELDS * EMBED_DIM
    W = jax.random.normal(ks[2], (total_dim, HIDDEN), dtype=jnp.float32) * (1.0 / np.sqrt(total_dim))
    b = jnp.zeros((HIDDEN,), dtype=jnp.float32)
    gamma = jnp.ones((HIDDEN,), dtype=jnp.float32)
    beta = jnp.zeros((HIDDEN,), dtype=jnp.float32)
    return {"indices": indices, "tables": tables, "W": W, "b": b, "gamma": gamma, "beta": beta}


def reference(indices, tables, W, b, gamma, beta):
    # per-field embedding lookup: tables[f, indices[:, f]] for all f, vectorized
    field_ids = jnp.arange(tables.shape[0])  # (F,)
    emb = tables[field_ids, indices]  # (B, F, D) gather
    concat = emb.reshape(emb.shape[0], -1)  # (B, F*D)
    h = concat @ W + b  # Linear
    # LayerNorm over last dim (eps=1e-5, torch default)
    mean = jnp.mean(h, axis=-1, keepdims=True)
    var = jnp.var(h, axis=-1, keepdims=True)
    hn = (h - mean) / jnp.sqrt(var + 1e-5)
    hn = hn * gamma + beta
    # torch nn.GELU default is exact (erf) form
    return jax.nn.gelu(hn, approximate=False)

if __name__ == "__main__":
    import jax
    _d = setup_inputs()
    print(jax.jit(kernel)(*tuple(_d.values())))

</pallas_src>

<mosaic_0001>
#map = affine_map<(d0, d1) -> (0, 0, 0)>
#map1 = affine_map<(d0, d1) -> (0, 0)>
module attributes {stable_mosaic.version = 14 : i64} {
  func.func @_sc_scan_gather(%arg0: i32, %arg1: i32, %arg2: memref<26x32x100000xf32, #tpu.memory_space<hbm>>, %arg3: memref<26x4096xi32, #tpu.memory_space<hbm>>, %arg4: memref<832x4096xf32, #tpu.memory_space<hbm>>, %arg5: memref<50048xf32, #tpu.memory_space<vmem>>, %arg6: memref<49952xf32, #tpu.memory_space<vmem>>, %arg7: memref<4096xi32, #tpu.memory_space<vmem>>, %arg8: memref<4096xf32, #tpu.memory_space<vmem>>, %arg9: memref<4096xf32, #tpu.memory_space<vmem>>, %arg10: memref<!tpu.dma_semaphore, #tpu.memory_space<semaphore_mem>>, %arg11: memref<!tpu.dma_semaphore, #tpu.memory_space<semaphore_mem>>, %arg12: memref<!tpu.dma_semaphore, #tpu.memory_space<semaphore_mem>>) attributes {dimension_semantics = [#tpu.dimension_semantics<core_parallel>, #tpu.dimension_semantics<subcore_parallel>], iteration_bounds = array<i64: 2, 16>, scalar_prefetch = 0 : i64, scratch_operands = 8 : i64, tpu.core_type = #tpu.core_type<sc_vector_subcore>, window_params = [{transform_indices = #map}, {transform_indices = #map1}, {transform_indices = #map1}]} {
    %mul3A = arith.constant 2 : i32
    %mul3A_0 = arith.muli %arg1, %mul3A : i32
    %add3A = arith.addi %mul3A_0, %arg0 : i32
    %mul3A_1 = arith.constant 26 : i32
    %mul3A_2 = arith.muli %add3A, %mul3A_1 : i32
    %jit3A = arith.constant 32 : i32
    %div3A = arith.divsi %mul3A_2, %jit3A : i32
    %sign3A = arith.constant 0 : i32
    %sign3A_3 = arith.cmpi sgt, %mul3A_2, %sign3A : i32
    %sign3A_4 = arith.extui %sign3A_3 : i1 to i32
    %sign3A_5 = arith.constant 0 : i32
    %sign3A_6 = arith.cmpi slt, %mul3A_2, %sign3A_5 : i32
    %sign3A_7 = arith.extui %sign3A_6 : i1 to i32
    %sign3A_8 = arith.subi %sign3A_4, %sign3A_7 : i32
    %sign3A_9 = arith.constant 0 : i32
    %sign3A_10 = arith.cmpi sgt, %jit3A, %sign3A_9 : i32
    %sign3A_11 = arith.extui %sign3A_10 : i1 to i32
    %sign3A_12 = arith.constant 0 : i32
    %sign3A_13 = arith.cmpi slt, %jit3A, %sign3A_12 : i32
    %sign3A_14 = arith.extui %sign3A_13 : i1 to i32
    %sign3A_15 = arith.subi %sign3A_11, %sign3A_14 : i32
    %ne3A = arith.cmpi ne, %sign3A_8, %sign3A_15 : i32
    %rem3A = arith.remsi %mul3A_2, %jit3A : i32
    %ne3A_16 = arith.constant 0 : i32
    %ne3A_17 = arith.cmpi ne, %rem3A, %ne3A_16 : i32
    %and3A = arith.andi %ne3A, %ne3A_17 : i1
    %sub3A = arith.constant 1 : i32
    %sub3A_18 = arith.subi %div3A, %sub3A : i32
    %select_n3A = arith.select %and3A, %sub3A_18, %div3A : i32
    %jit3A_19 = arith.constant 32 : i32
    %eq3A = arith.constant 0 : i32
    %eq3A_20 = arith.cmpi eq, %jit3A_19, %eq3A : i32
    %jit3A_21 = arith.constant 1 : i32
    %select_n3A_22 = arith.select %eq3A_20, %jit3A_21, %jit3A_19 : i32
    %rem3A_23 = arith.remsi %mul3A_2, %select_n3A_22 : i32
    %ne3A_24 = arith.constant 0 : i32
    %ne3A_25 = arith.cmpi ne, %rem3A_23, %ne3A_24 : i32
    %lt3A = arith.constant 0 : i32
    %lt3A_26 = arith.cmpi slt, %rem3A_23, %lt3A : i32
    %lt3A_27 = arith.constant 0 : i32
    %lt3A_28 = arith.cmpi slt, %select_n3A_22, %lt3A_27 : i32
    %ne3A_29 = arith.xori %lt3A_26, %lt3A_28 : i1
    %and3A_30 = arith.andi %ne3A_29, %ne3A_25 : i1
    %add3A_31 = arith.addi %rem3A_23, %select_n3A_22 : i32
    %select_n3A_32 = arith.select %and3A_30, %add3A_31, %rem3A_23 : i32
    %dma_start3A = arith.constant 0 : i32
    %dma_start3A_33 = tpu.memref_slice %arg2[%select_n3A, %select_n3A_32, %dma_start3A] : memref<26x32x100000xf32, #tpu.memory_space<hbm>> -> memref<1x1x50048xf32, #tpu.memory_space<hbm>>
    %dma_start3A_34 = tpu.memref_squeeze %dma_start3A_33 : memref<1x1x50048xf32, #tpu.memory_space<hbm>> -> memref<50048xf32, #tpu.memory_space<hbm>>
    %dma_start3A_35 = arith.constant 0 : i32
    %dma_start3A_36 = tpu.memref_slice %arg2[%select_n3A, %select_n3A_32, %dma_start3A_35] : memref<26x32x100000xf32, #tpu.memory_space<hbm>> -> memref<1x1x50048xf32, #tpu.memory_space<hbm>>
    %dma_start3A_37 = tpu.memref_squeeze %dma_start3A_36 : memref<1x1x50048xf32, #tpu.memory_space<hbm>> -> memref<50048xf32, #tpu.memory_space<hbm>>
    tpu.enqueue_dma source(%dma_start3A_37 : memref<50048xf32, #tpu.memory_space<hbm>>) target(%arg5 : memref<50048xf32, #tpu.memory_space<vmem>>) target_semaphore(%arg10 : memref<!tpu.dma_semaphore, #tpu.memory_space<semaphore_mem>>)
    %jit3A_38 = arith.constant 32 : i32
    %div3A_39 = arith.divsi %mul3A_2, %jit3A_38 : i32
    %sign3A_40 = arith.constant 0 : i32
    %sign3A_41 = arith.cmpi sgt, %mul3A_2, %sign3A_40 : i32
    %sign3A_42 = arith.extui %sign3A_41 : i1 to i32
    %sign3A_43 = arith.constant 0 : i32
    %sign3A_44 = arith.cmpi slt, %mul3A_2, %sign3A_43 : i32
    %sign3A_45 = arith.extui %sign3A_44 : i1 to i32
    %sign3A_46 = arith.subi %sign3A_42, %sign3A_45 : i32
    %sign3A_47 = arith.constant 0 : i32
    %sign3A_48 = arith.cmpi sgt, %jit3A_38, %sign3A_47 : i32
    %sign3A_49 = arith.extui %sign3A_48 : i1 to i32
    %sign3A_50 = arith.constant 0 : i32
    %sign3A_51 = arith.cmpi slt, %jit3A_38, %sign3A_50 : i32
    %sign3A_52 = arith.extui %sign3A_51 : i1 to i32
    %sign3A_53 = arith.subi %sign3A_49, %sign3A_52 : i32
    %ne3A_54 = arith.cmpi ne, %sign3A_46, %sign3A_53 : i32
    %rem3A_55 = arith.remsi %mul3A_2, %jit3A_38 : i32
    %ne3A_56 = arith.constant 0 : i32
    %ne3A_57 = arith.cmpi ne, %rem3A_55, %ne3A_56 : i32
    %and3A_58 = arith.andi %ne3A_54, %ne3A_57 : i1
    %sub3A_59 = arith.constant 1 : i32
    %sub3A_60 = arith.subi %div3A_39, %sub3A_59 : i32
    %select_n3A_61 = arith.select %and3A_58, %sub3A_60, %div3A_39 : i32
    %jit3A_62 = arith.constant 32 : i32
    %eq3A_63 = arith.constant 0 : i32
    %eq3A_64 = arith.cmpi eq, %jit3A_62, %eq3A_63 : i32
    %jit3A_65 = arith.constant 1 : i32
    %select_n3A_66 = arith.select %eq3A_64, %jit3A_65, %jit3A_62 : i32
    %rem3A_67 = arith.remsi %mul3A_2, %select_n3A_66 : i32
    %ne3A_68 = arith.constant 0 : i32
    %ne3A_69 = arith.cmpi ne, %rem3A_67, %ne3A_68 : i32
    %lt3A_70 = arith.constant 0 : i32
    %lt3A_71 = arith.cmpi slt, %rem3A_67, %lt3A_70 : i32
    %lt3A_72 = arith.constant 0 : i32
    %lt3A_73 = arith.cmpi slt, %select_n3A_66, %lt3A_72 : i32
    %ne3A_74 = arith.xori %lt3A_71, %lt3A_73 : i1
    %and3A_75 = arith.andi %ne3A_74, %ne3A_69 : i1
    %add3A_76 = arith.addi %rem3A_67, %select_n3A_66 : i32
    %select_n3A_77 = arith.select %and3A_75, %add3A_76, %rem3A_67 : i32
    %dma_start3A_78 = arith.constant 50048 : i32
    %dma_start3A_79 = tpu.memref_slice %arg2[%select_n3A_61, %select_n3A_77, %dma_start3A_78] : memref<26x32x100000xf32, #tpu.memory_space<hbm>> -> memref<1x1x49952xf32, #tpu.memory_space<hbm>>
    %dma_start3A_80 = tpu.memref_squeeze %dma_start3A_79 : memref<1x1x49952xf32, #tpu.memory_space<hbm>> -> memref<49952xf32, #tpu.memory_space<hbm>>
    %dma_start3A_81 = arith.constant 50048 : i32
    %dma_start3A_82 = tpu.memref_slice %arg2[%select_n3A_61, %select_n3A_77, %dma_start3A_81] : memref<26x32x100000xf32, #tpu.memory_space<hbm>> -> memref<1x1x49952xf32, #tpu.memory_space<hbm>>
    %dma_start3A_83 = tpu.memref_squeeze %dma_start3A_82 : memref<1x1x49952xf32, #tpu.memory_space<hbm>> -> memref<49952xf32, #tpu.memory_space<hbm>>
    tpu.enqueue_dma source(%dma_start3A_83 : memref<49952xf32, #tpu.memory_space<hbm>>) target(%arg6 : memref<49952xf32, #tpu.memory_space<vmem>>) target_semaphore(%arg11 : memref<!tpu.dma_semaphore, #tpu.memory_space<semaphore_mem>>)
    %scan3A = arith.constant -1 : i32
    %scan3A_84 = arith.constant 0 : i32
    %scan3A_85 = arith.constant 13 : i32
    %scan3A_86 = arith.addi %scan3A_84, %scan3A_85 : i32
    %scan3A_87 = arith.constant 1 : i32
    %scan3A_88 = scf.for %scan3A_119 = %scan3A_84 to %scan3A_86 step %scan3A_87 iter_args(%scan3A_120 = %scan3A) -> (i32)  : i32 {
      %gt3A = arith.constant 0 : i32
      %gt3A_121 = arith.cmpi sgt, %scan3A_119, %gt3A : i32
      %convert_element_type3A = arith.extui %gt3A_121 : i1 to i32
      %cond3A = arith.constant 0 : i32
      %cond3A_122 = arith.cmpi ne, %convert_element_type3A, %cond3A : i32
      scf.if %cond3A_122 {
        %dma_wait3A_443 = arith.constant 0 : i32
        %dma_wait3A_444 = arith.constant 0 : i32
        %dma_wait3A_445 = tpu.memref_slice %arg4[%dma_wait3A_443, %dma_wait3A_444] : memref<832x4096xf32, #tpu.memory_space<hbm>> -> memref<1x4096xf32, #tpu.memory_space<hbm>>
        %dma_wait3A_446 = tpu.memref_squeeze %dma_wait3A_445 : memref<1x4096xf32, #tpu.memory_space<hbm>> -> memref<4096xf32, #tpu.memory_space<hbm>>
        %dma_wait3A_447 = arith.constant 0 : i32
        %dma_wait3A_448 = tpu.memref_slice %arg4[%dma_wait3A_443, %dma_wait3A_447] : memref<832x4096xf32, #tpu.memory_space<hbm>> -> memref<1x4096xf32, #tpu.memory_space<hbm>>
        %dma_wait3A_449 = tpu.memref_squeeze %dma_wait3A_448 : memref<1x4096xf32, #tpu.memory_space<hbm>> -> memref<4096xf32, #tpu.memory_space<hbm>>
        tpu.wait_dma2 semaphore(%arg12 : memref<!tpu.dma_semaphore, #tpu.memory_space<semaphore_mem>>) src(%arg8 : memref<4096xf32, #tpu.memory_space<vmem>>) dst(%dma_wait3A_449 : memref<4096xf32, #tpu.memory_space<hbm>>)
        %dma_wait3A_450 = arith.constant 0 : i32
        %dma_wait3A_451 = arith.constant 0 : i32
        %dma_wait3A_452 = tpu.memref_slice %arg4[%dma_wait3A_450, %dma_wait3A_451] : memref<832x4096xf32, #tpu.memory_space<hbm>> -> memref<1x4096xf32, #tpu.memory_space<hbm>>
        %dma_wait3A_453 = tpu.memref_squeeze %dma_wait3A_452 : memref<1x4096xf32, #tpu.memory_space<hbm>> -> memref<4096xf32, #tpu.memory_space<hbm>>
        %dma_wait3A_454 = arith.constant 0 : i32
        %dma_wait3A_455 = tpu.memref_slice %arg4[%dma_wait3A_450, %dma_wait3A_454] : memref<832x4096xf32, #tpu.memory_space<hbm>> -> memref<1x4096xf32, #tpu.memory_space<hbm>>
        %dma_wait3A_456 = tpu.memref_squeeze %dma_wait3A_455 : memref<1x4096xf32, #tpu.memory_space<hbm>> -> memref<4096xf32, #tpu.memory_space<hbm>>
        tpu.wait_dma2 semaphore(%arg12 : memref<!tpu.dma_semaphore, #tpu.memory_space<semaphore_mem>>) src(%arg9 : memref<4096xf32, #tpu.memory_space<vmem>>) dst(%dma_wait3A_456 : memref<4096xf32, #tpu.memory_space<hbm>>)
      } else {
      }
      %mul3A_123 = arith.constant 2 : i32
      %mul3A_124 = arith.muli %mul3A_123, %scan3A_119 : i32
      %add3A_125 = arith.addi %mul3A_2, %mul3A_124 : i32
      %jit3A_126 = arith.constant 32 : i32
      %div3A_127 = arith.divsi %add3A_125, %jit3A_126 : i32
      %sign3A_128 = arith.constant 0 : i32
      %sign3A_129 = arith.cmpi sgt, %add3A_125, %sign3A_128 : i32
      %sign3A_130 = arith.extui %sign3A_129 : i1 to i32
      %sign3A_131 = arith.constant 0 : i32
      %sign3A_132 = arith.cmpi slt, %add3A_125, %sign3A_131 : i32
      %sign3A_133 = arith.extui %sign3A_132 : i1 to i32
      %sign3A_134 = arith.subi %sign3A_130, %sign3A_133 : i32
      %sign3A_135 = arith.constant 0 : i32
      %sign3A_136 = arith.cmpi sgt, %jit3A_126, %sign3A_135 : i32
      %sign3A_137 = arith.extui %sign3A_136 : i1 to i32
      %sign3A_138 = arith.constant 0 : i32
      %sign3A_139 = arith.cmpi slt, %jit3A_126, %sign3A_138 : i32
      %sign3A_140 = arith.extui %sign3A_139 : i1 to i32
      %sign3A_141 = arith.subi %sign3A_137, %sign3A_140 : i32
      %ne3A_142 = arith.cmpi ne, %sign3A_134, %sign3A_141 : i32
      %rem3A_143 = arith.remsi %add3A_125, %jit3A_126 : i32
      %ne3A_144 = arith.constant 0 : i32
      %ne3A_145 = arith.cmpi ne, %rem3A_143, %ne3A_144 : i32
      %and3A_146 = arith.andi %ne3A_142, %ne3A_145 : i1
      %sub3A_147 = arith.constant 1 : i32
      %sub3A_148 = arith.subi %div3A_127, %sub3A_147 : i32
      %select_n3A_149 = arith.select %and3A_146, %sub3A_148, %div3A_127 : i32
      %ne3A_150 = arith.cmpi ne, %select_n3A_149, %scan3A_120 : i32
      %convert_element_type3A_151 = arith.extui %ne3A_150 : i1 to i32
      %cond3A_152 = arith.constant 0 : i32
      %cond3A_153 = arith.cmpi ne, %convert_element_type3A_151, %cond3A_152 : i32
      scf.if %cond3A_153 {
        "tpu.region"() ({
          %run_scoped3A = tpu.sem_alloc : memref<!tpu.dma_semaphore, #tpu.memory_space<semaphore_mem>>
          %dma_start3A_443 = arith.constant 0 : i32
          %dma_start3A_444 = tpu.memref_slice %arg3[%select_n3A_149, %dma_start3A_443] : memref<26x4096xi32, #tpu.memory_space<hbm>> -> memref<1x4096xi32, #tpu.memory_space<hbm>>
          %dma_start3A_445 = tpu.memref_squeeze %dma_start3A_444 : memref<1x4096xi32, #tpu.memory_space<hbm>> -> memref<4096xi32, #tpu.memory_space<hbm>>
          %dma_start3A_446 = arith.constant 0 : i32
          %dma_start3A_447 = tpu.memref_slice %arg3[%select_n3A_149, %dma_start3A_446] : memref<26x4096xi32, #tpu.memory_space<hbm>> -> memref<1x4096xi32, #tpu.memory_space<hbm>>
          %dma_start3A_448 = tpu.memref_squeeze %dma_start3A_447 : memref<1x4096xi32, #tpu.memory_space<hbm>> -> memref<4096xi32, #tpu.memory_space<hbm>>
          tpu.enqueue_dma source(%dma_start3A_448 : memref<4096xi32, #tpu.memory_space<hbm>>) target(%arg7 : memref<4096xi32, #tpu.memory_space<vmem>>) target_semaphore(%run_scoped3A : memref<!tpu.dma_semaphore, #tpu.memory_space<semaphore_mem>>)
          %dma_wait3A_449 = arith.constant 0 : i32
          %dma_wait3A_450 = tpu.memref_slice %arg3[%select_n3A_149, %dma_wait3A_449] : memref<26x4096xi32, #tpu.memory_space<hbm>> -> memref<1x4096xi32, #tpu.memory_space<hbm>>
          %dma_wait3A_451 = tpu.memref_squeeze %dma_wait3A_450 : memref<1x4096xi32, #tpu.memory_space<hbm>> -> memref<4096xi32, #tpu.memory_space<hbm>>
          %dma_wait3A_452 = arith.constant 0 : i32
          %dma_wait3A_453 = tpu.memref_slice %arg3[%select_n3A_149, %dma_wait3A_452] : memref<26x4096xi32, #tpu.memory_space<hbm>> -> memref<1x4096xi32, #tpu.memory_space<hbm>>
          %dma_wait3A_454 = tpu.memref_squeeze %dma_wait3A_453 : memref<1x4096xi32, #tpu.memory_space<hbm>> -> memref<4096xi32, #tpu.memory_space<hbm>>
          tpu.wait_dma2 semaphore(%run_scoped3A : memref<!tpu.dma_semaphore, #tpu.memory_space<semaphore_mem>>) src(%dma_wait3A_454 : memref<4096xi32, #tpu.memory_space<hbm>>) dst(%arg7 : memref<4096xi32, #tpu.memory_space<vmem>>)
          tpu.yield
        }) : () -> ()
      } else {
      }
      %dma_wait3A_154 = arith.constant 0 : i32
      %dma_wait3A_155 = arith.constant 0 : i32
      %dma_wait3A_156 = arith.constant 0 : i32
      %dma_wait3A_157 = tpu.memref_slice %arg2[%dma_wait3A_154, %dma_wait3A_155, %dma_wait3A_156] : memref<26x32x100000xf32, #tpu.memory_space<hbm>> -> memref<1x1x50048xf32, #tpu.memory_space<hbm>>
      %dma_wait3A_158 = tpu.memref_squeeze %dma_wait3A_157 : memref<1x1x50048xf32, #tpu.memory_space<hbm>> -> memref<50048xf32, #tpu.memory_space<hbm>>
      %dma_wait3A_159 = arith.constant 0 : i32
      %dma_wait3A_160 = tpu.memref_slice %arg2[%dma_wait3A_154, %dma_wait3A_155, %dma_wait3A_159] : memref<26x32x100000xf32, #tpu.memory_space<hbm>> -> memref<1x1x50048xf32, #tpu.memory_space<hbm>>
      %dma_wait3A_161 = tpu.memref_squeeze %dma_wait3A_160 : memref<1x1x50048xf32, #tpu.memory_space<hbm>> -> memref<50048xf32, #tpu.memory_space<hbm>>
      tpu.wait_dma2 semaphore(%arg10 : memref<!tpu.dma_semaphore, #tpu.memory_space<semaphore_mem>>) src(%dma_wait3A_161 : memref<50048xf32, #tpu.memory_space<hbm>>) dst(%arg5 : memref<50048xf32, #tpu.memory_space<vmem>>)
      %scan3A_162 = arith.constant 0 : i32
      %scan3A_163 = arith.constant 0 : i32
      %scan3A_164 = arith.constant 256 : i32
      %scan3A_165 = arith.addi %scan3A_163, %scan3A_164 : i32
      %scan3A_166 = arith.constant 16 : i32
      scf.for %scan3A_443 = %scan3A_163 to %scan3A_165 step %scan3A_166  : i32 {
        %mul3A_444 = arith.constant 16 : i32
        %mul3A_445 = arith.muli %scan3A_443, %mul3A_444 : i32
        %get3A = arith.index_cast %mul3A_445 : i32 to index
        %get3A_446 = tpu.vector_load %arg7[%get3A] {strides = array<i32>} : memref<4096xi32, #tpu.memory_space<vmem>>, vector<16xi32>,
        %bitcast3A = vector.bitcast %get3A_446 : vector<16xi32> to vector<16xi32>
        %lt3A_447 = arith.constant 50048 : i32
        %lt3A_448 = vector.broadcast %lt3A_447 : i32 to vector<16xi32>
        %lt3A_449 = arith.cmpi ult, %bitcast3A, %lt3A_448 : vector<16xi32>
        %min3A_450 = arith.constant 50047 : i32
        %min3A_451 = vector.broadcast %min3A_450 : i32 to vector<16xi32>
        %min3A_452 = arith.minui %bitcast3A, %min3A_451 : vector<16xi32>
        %bitcast3A_453 = vector.bitcast %min3A_452 : vector<16xi32> to vector<16xi32>
        %gather3A = tpu.vector_load_idx %arg5[%bitcast3A_453] : memref<50048xf32, #tpu.memory_space<vmem>>[vector<16xi32>], vector<16xf32>,
        %swap3A = arith.index_cast %mul3A_445 : i32 to index
        %swap3A_454 = tpu.vector_load %arg8[%swap3A] {strides = array<i32>} : memref<4096xf32, #tpu.memory_space<vmem>>, vector<16xf32>,
        tpu.vector_store %arg8[%swap3A], %gather3A {strides = array<i32>} : memref<4096xf32, #tpu.memory_space<vmem>>, vector<16xf32>,
        %scan3A_455 = arith.constant 1 : i32
        %scan3A_456 = arith.addi %scan3A_443, %scan3A_455 : i32
        %mul3A_457 = arith.constant 16 : i32
        %mul3A_458 = arith.muli %scan3A_456, %mul3A_457 : i32
        %get3A_459 = arith.index_cast %mul3A_458 : i32 to index
        %get3A_460 = tpu.vector_load %arg7[%get3A_459] {strides = array<i32>} : memref<4096xi32, #tpu.memory_space<vmem>>, vector<16xi32>,
        %bitcast3A_461 = vector.bitcast %get3A_460 : vector<16xi32> to vector<16xi32>
        %lt3A_462 = arith.constant 50048 : i32
        %lt3A_463 = vector.broadcast %lt3A_462 : i32 to vector<16xi32>
        %lt3A_464 = arith.cmpi ult, %bitcast3A_461, %lt3A_463 : vector<16xi32>
        %min3A_465 = arith.constant 50047 : i32
        %min3A_466 = vector.broadcast %min3A_465 : i32 to vector<16xi32>
        %min3A_467 = arith.minui %bitcast3A_461, %min3A_466 : vector<16xi32>
        %bitcast3A_468 = vector.bitcast %min3A_467 : vector<16xi32> to vector<16xi32>
        %gather3A_469 = tpu.vector_load_idx %arg5[%bitcast3A_468] : memref<50048xf32, #tpu.memory_space<vmem>>[vector<16xi32>], vector<16xf32>,
        %swap3A_470 = arith.index_cast %mul3A_458 : i32 to index
        %swap3A_471 = tpu.vector_load %arg8[%swap3A_470] {strides = array<i32>} : memref<4096xf32, #tpu.memory_space<vmem>>, vector<16xf32>,
        tpu.vector_store %arg8[%swap3A_470], %gather3A_469 {strides = array<i32>} : memref<4096xf32, #tpu.memory_space<vmem>>, vector<16xf32>,
        %scan3A_472 = arith.constant 2 : i32
        %scan3A_473 = arith.addi %scan3A_443, %scan3A_472 : i32
        %mul3A_474 = arith.constant 16 : i32
        %mul3A_475 = arith.muli %scan3A_473, %mul3A_474 : i32
        %get3A_476 = arith.index_cast %mul3A_475 : i32 to index
        %get3A_477 = tpu.vector_load %arg7[%get3A_476] {strides = array<i32>} : memref<4096xi32, #tpu.memory_space<vmem>>, vector<16xi32>,
        %bitcast3A_478 = vector.bitcast %get3A_477 : vector<16xi32> to vector<16xi32>
        %lt3A_479 = arith.constant 50048 : i32
        %lt3A_480 = vector.broadcast %lt3A_479 : i32 to vector<16xi32>
        %lt3A_481 = arith.cmpi ult, %bitcast3A_478, %lt3A_480 : vector<16xi32>
        %min3A_482 = arith.constant 50047 : i32
        %min3A_483 = vector.broadcast %min3A_482 : i32 to vector<16xi32>
        %min3A_484 = arith.minui %bitcast3A_478, %min3A_483 : vector<16xi32>
        %bitcast3A_485 = vector.bitcast %min3A_484 : vector<16xi32> to vector<16xi32>
        %gather3A_486 = tpu.vector_load_idx %arg5[%bitcast3A_485] : memref<50048xf32, #tpu.memory_space<vmem>>[vector<16xi32>], vector<16xf32>,
        %swap3A_487 = arith.index_cast %mul3A_475 : i32 to index
        %swap3A_488 = tpu.vector_load %arg8[%swap3A_487] {strides = array<i32>} : memref<4096xf32, #tpu.memory_space<vmem>>, vector<16xf32>,
        tpu.vector_store %arg8[%swap3A_487], %gather3A_486 {strides = array<i32>} : memref<4096xf32, #tpu.memory_space<vmem>>, vector<16xf32>,
        %scan3A_489 = arith.constant 3 : i32
        %scan3A_490 = arith.addi %scan3A_443, %scan3A_489 : i32
        %mul3A_491 = arith.constant 16 : i32
        %mul3A_492 = arith.muli %scan3A_490, %mul3A_491 : i32
        %get3A_493 = arith.index_cast %mul3A_492 : i32 to index
        %get3A_494 = tpu.vector_load %arg7[%get3A_493] {strides = array<i32>} : memref<4096xi32, #tpu.memory_space<vmem>>, vector<16xi32>,
        %bitcast3A_495 = vector.bitcast %get3A_494 : vector<16xi32> to vector<16xi32>
        %lt3A_496 = arith.constant 50048 : i32
        %lt3A_497 = vector.broadcast %lt3A_496 : i32 to vector<16xi32>
        %lt3A_498 = arith.cmpi ult, %bitcast3A_495, %lt3A_497 : vector<16xi32>
        %min3A_499 = arith.constant 50047 : i32
        %min3A_500 = vector.broadcast %min3A_499 : i32 to vector<16xi32>
        %min3A_501 = arith.minui %bitcast3A_495, %min3A_500 : vector<16xi32>
        %bitcast3A_502 = vector.bitcast %min3A_501 : vector<16xi32> to vector<16xi32>
        %gather3A_503 = tpu.vector_load_idx %arg5[%bitcast3A_502] : memref<50048xf32, #tpu.memory_space<vmem>>[vector<16xi32>], vector<16xf32>,
        %swap3A_504 = arith.index_cast %mul3A_492 : i32 to index
        %swap3A_505 = tpu.vector_load %arg8[%swap3A_504] {strides = array<i32>} : memref<4096xf32, #tpu.memory_space<vmem>>, vector<16xf32>,
        tpu.vector_store %arg8[%swap3A_504], %gather3A_503 {strides = array<i32>} : memref<4096xf32, #tpu.memory_space<vmem>>, vector<16xf32>,
        %scan3A_506 = arith.constant 4 : i32
        %scan3A_507 = arith.addi %scan3A_443, %scan3A_506 : i32
        %mul3A_508 = arith.constant 16 : i32
        %mul3A_509 = arith.muli %scan3A_507, %mul3A_508 : i32
        %get3A_510 = arith.index_cast %mul3A_509 : i32 to index
        %get3A_511 = tpu.vector_load %arg7[%get3A_510] {strides = array<i32>} : memref<4096xi32, #tpu.memory_space<vmem>>, vector<16xi32>,
        %bitcast3A_512 = vector.bitcast %get3A_511 : vector<16xi32> to vector<16xi32>
        %lt3A_513 = arith.constant 50048 : i32
        %lt3A_514 = vector.broadcast %lt3A_513 : i32 to vector<16xi32>
        %lt3A_515 = arith.cmpi ult, %bitcast3A_512, %lt3A_514 : vector<16xi32>
        %min3A_516 = arith.constant 50047 : i32
        %min3A_517 = vector.broadcast %min3A_516 : i32 to vector<16xi32>
        %min3A_518 = arith.minui %bitcast3A_512, %min3A_517 : vector<16xi32>
        %bitcast3A_519 = vector.bitcast %min3A_518 : vector<16xi32> to vector<16xi32>
        %gather3A_520 = tpu.vector_load_idx %arg5[%bitcast3A_519] : memref<50048xf32, #tpu.memory_space<vmem>>[vector<16xi32>], vector<16xf32>,
        %swap3A_521 = arith.index_cast %mul3A_509 : i32 to index
        %swap3A_522 = tpu.vector_load %arg8[%swap3A_521] {strides = array<i32>} : memref<4096xf32, #tpu.memory_space<vmem>>, vector<16xf32>,
        tpu.vector_store %arg8[%swap3A_521], %gather3A_520 {strides = array<i32>} : memref<4096xf32, #tpu.memory_space<vmem>>, vector<16xf32>,
        %scan3A_523 = arith.constant 5 : i32
        %scan3A_524 = arith.addi %scan3A_443, %scan3A_523 : i32
        %mul3A_525 = arith.constant 16 : i32
        %mul3A_526 = arith.muli %scan3A_524, %mul3A_525 : i32
        %get3A_527 = arith.index_cast %mul3A_526 : i32 to index
        %get3A_528 = tpu.vector_load %arg7[%get3A_527] {strides = array<i32>} : memref<4096xi32, #tpu.memory_space<vmem>>, vector<16xi32>,
        %bitcast3A_529 = vector.bitcast %get3A_528 : vector<16xi32> to vector<16xi32>
        %lt3A_530 = arith.constant 50048 : i32
        %lt3A_531 = vector.broadcast %lt3A_530 : i32 to vector<16xi32>
        %lt3A_532 = arith.cmpi ult, %bitcast3A_529, %lt3A_531 : vector<16xi32>
        %min3A_533 = arith.constant 50047 : i32
        %min3A_534 = vector.broadcast %min3A_533 : i32 to vector<16xi32>
        %min3A_535 = arith.minui %bitcast3A_529, %min3A_534 : vector<16xi32>
        %bitcast3A_536 = vector.bitcast %min3A_535 : vector<16xi32> to vector<16xi32>
        %gather3A_537 = tpu.vector_load_idx %arg5[%bitcast3A_536] : memref<50048xf32, #tpu.memory_space<vmem>>[vector<16xi32>], vector<16xf32>,
        %swap3A_538 = arith.index_cast %mul3A_526 : i32 to index
        %swap3A_539 = tpu.vector_load %arg8[%swap3A_538] {strides = array<i32>} : memref<4096xf32, #tpu.memory_space<vmem>>, vector<16xf32>,
        tpu.vector_store %arg8[%swap3A_538], %gather3A_537 {strides = array<i32>} : memref<4096xf32, #tpu.memory_space<vmem>>, vector<16xf32>,
        %scan3A_540 = arith.constant 6 : i32
        %scan3A_541 = arith.addi %scan3A_443, %scan3A_540 : i32
        %mul3A_542 = arith.constant 16 : i32
        %mul3A_543 = arith.muli %scan3A_541, %mul3A_542 : i32
        %get3A_544 = arith.index_cast %mul3A_543 : i32 to index
        %get3A_545 = tpu.vector_load %arg7[%get3A_544] {strides = array<i32>} : memref<4096xi32, #tpu.memory_space<vmem>>, vector<16xi32>,
        %bitcast3A_546 = vector.bitcast %get3A_545 : vector<16xi32> to vector<16xi32>
        %lt3A_547 = arith.constant 50048 : i32
        %lt3A_548 = vector.broadcast %lt3A_547 : i32 to vector<16xi32>
        %lt3A_549 = arith.cmpi ult, %bitcast3A_546, %lt3A_548 : vector<16xi32>
        %min3A_550 = arith.constant 50047 : i32
        %min3A_551 = vector.broadcast %min3A_550 : i32 to vector<16xi32>
        %min3A_552 = arith.minui %bitcast3A_546, %min3A_551 : vector<16xi32>
        %bitcast3A_553 = vector.bitcast %min3A_552 : vector<16xi32> to vector<16xi32>
        %gather3A_554 = tpu.vector_load_idx %arg5[%bitcast3A_553] : memref<50048xf32, #tpu.memory_space<vmem>>[vector<16xi32>], vector<16xf32>,
        %swap3A_555 = arith.index_cast %mul3A_543 : i32 to index
        %swap3A_556 = tpu.vector_load %arg8[%swap3A_555] {strides = array<i32>} : memref<4096xf32, #tpu.memory_space<vmem>>, vector<16xf32>,
        tpu.vector_store %arg8[%swap3A_555], %gather3A_554 {strides = array<i32>} : memref<4096xf32, #tpu.memory_space<vmem>>, vector<16xf32>,
        %scan3A_557 = arith.constant 7 : i32
        %scan3A_558 = arith.addi %scan3A_443, %scan3A_557 : i32
        %mul3A_559 = arith.constant 16 : i32
        %mul3A_560 = arith.muli %scan3A_558, %mul3A_559 : i32
        %get3A_561 = arith.index_cast %mul3A_560 : i32 to index
        %get3A_562 = tpu.vector_load %arg7[%get3A_561] {strides = array<i32>} : memref<4096xi32, #tpu.memory_space<vmem>>, vector<16xi32>,
        %bitcast3A_563 = vector.bitcast %get3A_562 : vector<16xi32> to vector<16xi32>
        %lt3A_564 = arith.constant 50048 : i32
        %lt3A_565 = vector.broadcast %lt3A_564 : i32 to vector<16xi32>
        %lt3A_566 = arith.cmpi ult, %bitcast3A_563, %lt3A_565 : vector<16xi32>
        %min3A_567 = arith.constant 50047 : i32
        %min3A_568 = vector.broadcast %min3A_567 : i32 to vector<16xi32>
        %min3A_569 = arith.minui %bitcast3A_563, %min3A_568 : vector<16xi32>
        %bitcast3A_570 = vector.bitcast %min3A_569 : vector<16xi32> to vector<16xi32>
        %gather3A_571 = tpu.vector_load_idx %arg5[%bitcast3A_570] : memref<50048xf32, #tpu.memory_space<vmem>>[vector<16xi32>], vector<16xf32>,
        %swap3A_572 = arith.index_cast %mul3A_560 : i32 to index
        %swap3A_573 = tpu.vector_load %arg8[%swap3A_572] {strides = array<i32>} : memref<4096xf32, #tpu.memory_space<vmem>>, vector<16xf32>,
        tpu.vector_store %arg8[%swap3A_572], %gather3A_571 {strides = array<i32>} : memref<4096xf32, #tpu.memory_space<vmem>>, vector<16xf32>,
        %scan3A_574 = arith.constant 8 : i32
        %scan3A_575 = arith.addi %scan3A_443, %scan3A_574 : i32
        %mul3A_576 = arith.constant 16 : i32
        %mul3A_577 = arith.muli %scan3A_575, %mul3A_576 : i32
        %get3A_578 = arith.index_cast %mul3A_577 : i32 to index
        %get3A_579 = tpu.vector_load %arg7[%get3A_578] {strides = array<i32>} : memref<4096xi32, #tpu.memory_space<vmem>>, vector<16xi32>,
        %bitcast3A_580 = vector.bitcast %get3A_579 : vector<16xi32> to vector<16xi32>
        %lt3A_581 = arith.constant 50048 : i32
        %lt3A_582 = vector.broadcast %lt3A_581 : i32 to vector<16xi32>
        %lt3A_583 = arith.cmpi ult, %bitcast3A_580, %lt3A_582 : vector<16xi32>
        %min3A_584 = arith.constant 50047 : i32
        %min3A_585 = vector.broadcast %min3A_584 : i32 to vector<16xi32>
        %min3A_586 = arith.minui %bitcast3A_580, %min3A_585 : vector<16xi32>
        %bitcast3A_587 = vector.bitcast %min3A_586 : vector<16xi32> to vector<16xi32>
        %gather3A_588 = tpu.vector_load_idx %arg5[%bitcast3A_587] : memref<50048xf32, #tpu.memory_space<vmem>>[vector<16xi32>], vector<16xf32>,
        %swap3A_589 = arith.index_cast %mul3A_577 : i32 to index
        %swap3A_590 = tpu.vector_load %arg8[%swap3A_589] {strides = array<i32>} : memref<4096xf32, #tpu.memory_space<vmem>>, vector<16xf32>,
        tpu.vector_store %arg8[%swap3A_589], %gather3A_588 {strides = array<i32>} : memref<4096xf32, #tpu.memory_space<vmem>>, vector<16xf32>,
        %scan3A_591 = arith.constant 9 : i32
        %scan3A_592 = arith.addi %scan3A_443, %scan3A_591 : i32
        %mul3A_593 = arith.constant 16 : i32
        %mul3A_594 = arith.muli %scan3A_592, %mul3A_593 : i32
        %get3A_595 = arith.index_cast %mul3A_594 : i32 to index
        %get3A_596 = tpu.vector_load %arg7[%get3A_595] {strides = array<i32>} : memref<4096xi32, #tpu.memory_space<vmem>>, vector<16xi32>,
        %bitcast3A_597 = vector.bitcast %get3A_596 : vector<16xi32> to vector<16xi32>
        %lt3A_598 = arith.constant 50048 : i32
        %lt3A_599 = vector.broadcast %lt3A_598 : i32 to vector<16xi32>
        %lt3A_600 = arith.cmpi ult, %bitcast3A_597, %lt3A_599 : vector<16xi32>
        %min3A_601 = arith.constant 50047 : i32
        %min3A_602 = vector.broadcast %min3A_601 : i32 to vector<16xi32>
        %min3A_603 = arith.minui %bitcast3A_597, %min3A_602 : vector<16xi32>
        %bitcast3A_604 = vector.bitcast %min3A_603 : vector<16xi32> to vector<16xi32>
        %gather3A_605 = tpu.vector_load_idx %arg5[%bitcast3A_604] : memref<50048xf32, #tpu.memory_space<vmem>>[vector<16xi32>], vector<16xf32>,
        %swap3A_606 = arith.index_cast %mul3A_594 : i32 to index
        %swap3A_607 = tpu.vector_load %arg8[%swap3A_606] {strides = array<i32>} : memref<4096xf32, #tpu.memory_space<vmem>>, vector<16xf32>,
        tpu.vector_store %arg8[%swap3A_606], %gather3A_605 {strides = array<i32>} : memref<4096xf32, #tpu.memory_space<vmem>>, vector<16xf32>,
        %scan3A_608 = arith.constant 10 : i32
        %scan3A_609 = arith.addi %scan3A_443, %scan3A_608 : i32
        %mul3A_610 = arith.constant 16 : i32
        %mul3A_611 = arith.muli %scan3A_609, %mul3A_610 : i32
        %get3A_612 = arith.index_cast %mul3A_611 : i32 to index
        %get3A_613 = tpu.vector_load %arg7[%get3A_612] {strides = array<i32>} : memref<4096xi32, #tpu.memory_space<vmem>>, vector<16xi32>,
        %bitcast3A_614 = vector.bitcast %get3A_613 : vector<16xi32> to vector<16xi32>
        %lt3A_615 = arith.constant 50048 : i32
        %lt3A_616 = vector.broadcast %lt3A_615 : i32 to vector<16xi32>
        %lt3A_617 = arith.cmpi ult, %bitcast3A_614, %lt3A_616 : vector<16xi32>
        %min3A_618 = arith.constant 50047 : i32
        %min3A_619 = vector.broadcast %min3A_618 : i32 to vector<16xi32>
        %min3A_620 = arith.minui %bitcast3A_614, %min3A_619 : vector<16xi32>
        %bitcast3A_621 = vector.bitcast %min3A_620 : vector<16xi32> to vector<16xi32>
        %gather3A_622 = tpu.vector_load_idx %arg5[%bitcast3A_621] : memref<50048xf32, #tpu.memory_space<vmem>>[vector<16xi32>], vector<16xf32>,
        %swap3A_623 = arith.index_cast %mul3A_611 : i32 to index
        %swap3A_624 = tpu.vector_load %arg8[%swap3A_623] {strides = array<i32>} : memref<4096xf32, #tpu.memory_space<vmem>>, vector<16xf32>,
        tpu.vector_store %arg8[%swap3A_623], %gather3A_622 {strides = array<i32>} : memref<4096xf32, #tpu.memory_space<vmem>>, vector<16xf32>,
        %scan3A_625 = arith.constant 11 : i32
        %scan3A_626 = arith.addi %scan3A_443, %scan3A_625 : i32
        %mul3A_627 = arith.constant 16 : i32
        %mul3A_628 = arith.muli %scan3A_626, %mul3A_627 : i32
        %get3A_629 = arith.index_cast %mul3A_628 : i32 to index
        %get3A_630 = tpu.vector_load %arg7[%get3A_629] {strides = array<i32>} : memref<4096xi32, #tpu.memory_space<vmem>>, vector<16xi32>,
        %bitcast3A_631 = vector.bitcast %get3A_630 : vector<16xi32> to vector<16xi32>
        %lt3A_632 = arith.constant 50048 : i32
        %lt3A_633 = vector.broadcast %lt3A_632 : i32 to vector<16xi32>
        %lt3A_634 = arith.cmpi ult, %bitcast3A_631, %lt3A_633 : vector<16xi32>
        %min3A_635 = arith.constant 50047 : i32
        %min3A_636 = vector.broadcast %min3A_635 : i32 to vector<16xi32>
        %min3A_637 = arith.minui %bitcast3A_631, %min3A_636 : vector<16xi32>
        %bitcast3A_638 = vector.bitcast %min3A_637 : vector<16xi32> to vector<16xi32>
        %gather3A_639 = tpu.vector_load_idx %arg5[%bitcast3A_638] : memref<50048xf32, #tpu.memory_space<vmem>>[vector<16xi32>], vector<16xf32>,
        %swap3A_640 = arith.index_cast %mul3A_628 : i32 to index
        %swap3A_641 = tpu.vector_load %arg8[%swap3A_640] {strides = array<i32>} : memref<4096xf32, #tpu.memory_space<vmem>>, vector<16xf32>,
        tpu.vector_store %arg8[%swap3A_640], %gather3A_639 {strides = array<i32>} : memref<4096xf32, #tpu.memory_space<vmem>>, vector<16xf32>,
        %scan3A_642 = arith.constant 12 : i32
        %scan3A_643 = arith.addi %scan3A_443, %scan3A_642 : i32
        %mul3A_644 = arith.constant 16 : i32
        %mul3A_645 = arith.muli %scan3A_643, %mul3A_644 : i32
        %get3A_646 = arith.index_cast %mul3A_645 : i32 to index
        %get3A_647 = tpu.vector_load %arg7[%get3A_646] {strides = array<i32>} : memref<4096xi32, #tpu.memory_space<vmem>>, vector<16xi32>,
        %bitcast3A_648 = vector.bitcast %get3A_647 : vector<16xi32> to vector<16xi32>
        %lt3A_649 = arith.constant 50048 : i32
        %lt3A_650 = vector.broadcast %lt3A_649 : i32 to vector<16xi32>
        %lt3A_651 = arith.cmpi ult, %bitcast3A_648, %lt3A_650 : vector<16xi32>
        %min3A_652 = arith.constant 50047 : i32
        %min3A_653 = vector.broadcast %min3A_652 : i32 to vector<16xi32>
        %min3A_654 = arith.minui %bitcast3A_648, %min3A_653 : vector<16xi32>
        %bitcast3A_655 = vector.bitcast %min3A_654 : vector<16xi32> to vector<16xi32>
        %gather3A_656 = tpu.vector_load_idx %arg5[%bitcast3A_655] : memref<50048xf32, #tpu.memory_space<vmem>>[vector<16xi32>], vector<16xf32>,
        %swap3A_657 = arith.index_cast %mul3A_645 : i32 to index
        %swap3A_658 = tpu.vector_load %arg8[%swap3A_657] {strides = array<i32>} : memref<4096xf32, #tpu.memory_space<vmem>>, vector<16xf32>,
        tpu.vector_store %arg8[%swap3A_657], %gather3A_656 {strides = array<i32>} : memref<4096xf32, #tpu.memory_space<vmem>>, vector<16xf32>,
        %scan3A_659 = arith.constant 13 : i32
        %scan3A_660 = arith.addi %scan3A_443, %scan3A_659 : i32
        %mul3A_661 = arith.constant 16 : i32
        %mul3A_662 = arith.muli %scan3A_660, %mul3A_661 : i32
        %get3A_663 = arith.index_cast %mul3A_662 : i32 to index
        %get3A_664 = tpu.vector_load %arg7[%get3A_663] {strides = array<i32>} : memref<4096xi32, #tpu.memory_space<vmem>>, vector<16xi32>,
        %bitcast3A_665 = vector.bitcast %get3A_664 : vector<16xi32> to vector<16xi32>
        %lt3A_666 = arith.constant 50048 : i32
        %lt3A_667 = vector.broadcast %lt3A_666 : i32 to vector<16xi32>
        %lt3A_668 = arith.cmpi ult, %bitcast3A_665, %lt3A_667 : vector<16xi32>
        %min3A_669 = arith.constant 50047 : i32
        %min3A_670 = vector.broadcast %min3A_669 : i32 to vector<16xi32>
        %min3A_671 = arith.minui %bitcast3A_665, %min3A_670 : vector<16xi32>
        %bitcast3A_672 = vector.bitcast %min3A_671 : vector<16xi32> to vector<16xi32>
        %gather3A_673 = tpu.vector_load_idx %arg5[%bitcast3A_672] : memref<50048xf32, #tpu.memory_space<vmem>>[vector<16xi32>], vector<16xf32>,
        %swap3A_674 = arith.index_cast %mul3A_662 : i32 to index
        %swap3A_675 = tpu.vector_load %arg8[%swap3A_674] {strides = array<i32>} : memref<4096xf32, #tpu.memory_space<vmem>>, vector<16xf32>,
        tpu.vector_store %arg8[%swap3A_674], %gather3A_673 {strides = array<i32>} : memref<4096xf32, #tpu.memory_space<vmem>>, vector<16xf32>,
        %scan3A_676 = arith.constant 14 : i32
        %scan3A_677 = arith.addi %scan3A_443, %scan3A_676 : i32
        %mul3A_678 = arith.constant 16 : i32
        %mul3A_679 = arith.muli %scan3A_677, %mul3A_678 : i32
        %get3A_680 = arith.index_cast %mul3A_679 : i32 to index
        %get3A_681 = tpu.vector_load %arg7[%get3A_680] {strides = array<i32>} : memref<4096xi32, #tpu.memory_space<vmem>>, vector<16xi32>,
        %bitcast3A_682 = vector.bitcast %get3A_681 : vector<16xi32> to vector<16xi32>
        %lt3A_683 = arith.constant 50048 : i32
        %lt3A_684 = vector.broadcast %lt3A_683 : i32 to vector<16xi32>
        %lt3A_685 = arith.cmpi ult, %bitcast3A_682, %lt3A_684 : vector<16xi32>
        %min3A_686 = arith.constant 50047 : i32
        %min3A_687 = vector.broadcast %min3A_686 : i32 to vector<16xi32>
        %min3A_688 = arith.minui %bitcast3A_682, %min3A_687 : vector<16xi32>
        %bitcast3A_689 = vector.bitcast %min3A_688 : vector<16xi32> to vector<16xi32>
        %gather3A_690 = tpu.vector_load_idx %arg5[%bitcast3A_689] : memref<50048xf32, #tpu.memory_space<vmem>>[vector<16xi32>], vector<16xf32>,
        %swap3A_691 = arith.index_cast %mul3A_679 : i32 to index
        %swap3A_692 = tpu.vector_load %arg8[%swap3A_691] {strides = array<i32>} : memref<4096xf32, #tpu.memory_space<vmem>>, vector<16xf32>,
        tpu.vector_store %arg8[%swap3A_691], %gather3A_690 {strides = array<i32>} : memref<4096xf32, #tpu.memory_space<vmem>>, vector<16xf32>,
        %scan3A_693 = arith.constant 15 : i32
        %scan3A_694 = arith.addi %scan3A_443, %scan3A_693 : i32
        %mul3A_695 = arith.constant 16 : i32
        %mul3A_696 = arith.muli %scan3A_694, %mul3A_695 : i32
        %get3A_697 = arith.index_cast %mul3A_696 : i32 to index
        %get3A_698 = tpu.vector_load %arg7[%get3A_697] {strides = array<i32>} : memref<4096xi32, #tpu.memory_space<vmem>>, vector<16xi32>,
        %bitcast3A_699 = vector.bitcast %get3A_698 : vector<16xi32> to vector<16xi32>
        %lt3A_700 = arith.constant 50048 : i32
        %lt3A_701 = vector.broadcast %lt3A_700 : i32 to vector<16xi32>
        %lt3A_702 = arith.cmpi ult, %bitcast3A_699, %lt3A_701 : vector<16xi32>
        %min3A_703 = arith.constant 50047 : i32
        %min3A_704 = vector.broadcast %min3A_703 : i32 to vector<16xi32>
        %min3A_705 = arith.minui %bitcast3A_699, %min3A_704 : vector<16xi32>
        %bitcast3A_706 = vector.bitcast %min3A_705 : vector<16xi32> to vector<16xi32>
        %gather3A_707 = tpu.vector_load_idx %arg5[%bitcast3A_706] : memref<50048xf32, #tpu.memory_space<vmem>>[vector<16xi32>], vector<16xf32>,
        %swap3A_708 = arith.index_cast %mul3A_696 : i32 to index
        %swap3A_709 = tpu.vector_load %arg8[%swap3A_708] {strides = array<i32>} : memref<4096xf32, #tpu.memory_space<vmem>>, vector<16xf32>,
        tpu.vector_store %arg8[%swap3A_708], %gather3A_707 {strides = array<i32>} : memref<4096xf32, #tpu.memory_space<vmem>>, vector<16xf32>,
      }
      %scan3A_167 = arith.constant 256 : i32
      %add3A_168 = arith.constant 1 : i32
      %add3A_169 = arith.addi %add3A_125, %add3A_168 : i32
      %min3A = arith.constant 831 : i32
      %min3A_170 = arith.minsi %add3A_169, %min3A : i32
      %jit3A_171 = arith.constant 32 : i32
      %div3A_172 = arith.divsi %min3A_170, %jit3A_171 : i32
      %sign3A_173 = arith.constant 0 : i32
      %sign3A_174 = arith.cmpi sgt, %min3A_170, %sign3A_173 : i32
      %sign3A_175 = arith.extui %sign3A_174 : i1 to i32
      %sign3A_176 = arith.constant 0 : i32
      %sign3A_177 = arith.cmpi slt, %min3A_170, %sign3A_176 : i32
      %sign3A_178 = arith.extui %sign3A_177 : i1 to i32
      %sign3A_179 = arith.subi %sign3A_175, %sign3A_178 : i32
      %sign3A_180 = arith.constant 0 : i32
      %sign3A_181 = arith.cmpi sgt, %jit3A_171, %sign3A_180 : i32
      %sign3A_182 = arith.extui %sign3A_181 : i1 to i32
      %sign3A_183 = arith.constant 0 : i32
      %sign3A_184 = arith.cmpi slt, %jit3A_171, %sign3A_183 : i32
      %sign3A_185 = arith.extui %sign3A_184 : i1 to i32
      %sign3A_186 = arith.subi %sign3A_182, %sign3A_185 : i32
      %ne3A_187 = arith.cmpi ne, %sign3A_179, %sign3A_186 : i32
      %rem3A_188 = arith.remsi %min3A_170, %jit3A_171 : i32
      %ne3A_189 = arith.constant 0 : i32
      %ne3A_190 = arith.cmpi ne, %rem3A_188, %ne3A_189 : i32
      %and3A_191 = arith.andi %ne3A_187, %ne3A_190 : i1
      %sub3A_192 = arith.constant 1 : i32
      %sub3A_193 = arith.subi %div3A_172, %sub3A_192 : i32
      %select_n3A_194 = arith.select %and3A_191, %sub3A_193, %div3A_172 : i32
      %jit3A_195 = arith.constant 32 : i32
      %eq3A_196 = arith.constant 0 : i32
      %eq3A_197 = arith.cmpi eq, %jit3A_195, %eq3A_196 : i32
      %jit3A_198 = arith.constant 1 : i32
      %select_n3A_199 = arith.select %eq3A_197, %jit3A_198, %jit3A_195 : i32
      %rem3A_200 = arith.remsi %min3A_170, %select_n3A_199 : i32
      %ne3A_201 = arith.constant 0 : i32
      %ne3A_202 = arith.cmpi ne, %rem3A_200, %ne3A_201 : i32
      %lt3A_203 = arith.constant 0 : i32
      %lt3A_204 = arith.cmpi slt, %rem3A_200, %lt3A_203 : i32
      %lt3A_205 = arith.constant 0 : i32
      %lt3A_206 = arith.cmpi slt, %select_n3A_199, %lt3A_205 : i32
      %ne3A_207 = arith.xori %lt3A_204, %lt3A_206 : i1
      %and3A_208 = arith.andi %ne3A_207, %ne3A_202 : i1
      %add3A_209 = arith.addi %rem3A_200, %select_n3A_199 : i32
      %select_n3A_210 = arith.select %and3A_208, %add3A_209, %rem3A_200 : i32
      %dma_start3A_211 = arith.constant 0 : i32
      %dma_start3A_212 = tpu.memref_slice %arg2[%select_n3A_194, %select_n3A_210, %dma_start3A_211] : memref<26x32x100000xf32, #tpu.memory_space<hbm>> -> memref<1x1x50048xf32, #tpu.memory_space<hbm>>
      %dma_start3A_213 = tpu.memref_squeeze %dma_start3A_212 : memref<1x1x50048xf32, #tpu.memory_space<hbm>> -> memref<50048xf32, #tpu.memory_space<hbm>>
      %dma_start3A_214 = arith.constant 0 : i32
      %dma_start3A_215 = tpu.memref_slice %arg2[%select_n3A_194, %select_n3A_210, %dma_start3A_214] : memref<26x32x100000xf32, #tpu.memory_space<hbm>> -> memref<1x1x50048xf32, #tpu.memory_space<hbm>>
      %dma_start3A_216 = tpu.memref_squeeze %dma_start3A_215 : memref<1x1x50048xf32, #tpu.memory_space<hbm>> -> memref<50048xf32, #tpu.memory_space<hbm>>
      tpu.enqueue_dma source(%dma_start3A_216 : memref<50048xf32, #tpu.memory_space<hbm>>) target(%arg5 : memref<50048xf32, #tpu.memory_space<vmem>>) target_semaphore(%arg10 : memref<!tpu.dma_semaphore, #tpu.memory_space<semaphore_mem>>)
      %dma_wait3A_217 = arith.constant 0 : i32
      %dma_wait3A_218 = arith.constant 0 : i32
      %dma_wait3A_219 = arith.constant 50048 : i32
      %dma_wait3A_220 = tpu.memref_slice %arg2[%dma_wait3A_217, %dma_wait3A_218, %dma_wait3A_219] : memref<26x32x100000xf32, #tpu.memory_space<hbm>> -> memref<1x1x49952xf32, #tpu.memory_space<hbm>>
      %dma_wait3A_221 = tpu.memref_squeeze %dma_wait3A_220 : memref<1x1x49952xf32, #tpu.memory_space<hbm>> -> memref<49952xf32, #tpu.memory_space<hbm>>
      %dma_wait3A_222 = arith.constant 50048 : i32
      %dma_wait3A_223 = tpu.memref_slice %arg2[%dma_wait3A_217, %dma_wait3A_218, %dma_wait3A_222] : memref<26x32x100000xf32, #tpu.memory_space<hbm>> -> memref<1x1x49952xf32, #tpu.memory_space<hbm>>
      %dma_wait3A_224 = tpu.memref_squeeze %dma_wait3A_223 : memref<1x1x49952xf32, #tpu.memory_space<hbm>> -> memref<49952xf32, #tpu.memory_space<hbm>>
      tpu.wait_dma2 semaphore(%arg11 : memref<!tpu.dma_semaphore, #tpu.memory_space<semaphore_mem>>) src(%dma_wait3A_224 : memref<49952xf32, #tpu.memory_space<hbm>>) dst(%arg6 : memref<49952xf32, #tpu.memory_space<vmem>>)
      %scan3A_225 = arith.constant 0 : i32
      %scan3A_226 = arith.constant 0 : i32
      %scan3A_227 = arith.constant 256 : i32
      %scan3A_228 = arith.addi %scan3A_226, %scan3A_227 : i32
      %scan3A_229 = arith.constant 16 : i32
      scf.for %scan3A_443 = %scan3A_226 to %scan3A_228 step %scan3A_229  : i32 {
        %mul3A_444 = arith.constant 16 : i32
        %mul3A_445 = arith.muli %scan3A_443, %mul3A_444 : i32
        %get3A = arith.index_cast %mul3A_445 : i32 to index
        %get3A_446 = tpu.vector_load %arg7[%get3A] {strides = array<i32>} : memref<4096xi32, #tpu.memory_space<vmem>>, vector<16xi32>,
        %sub3A_447 = arith.constant 50048 : i32
        %sub3A_448 = vector.broadcast %sub3A_447 : i32 to vector<16xi32>
        %sub3A_449 = arith.subi %get3A_446, %sub3A_448 : vector<16xi32>
        %bitcast3A = vector.bitcast %sub3A_449 : vector<16xi32> to vector<16xi32>
        %lt3A_450 = arith.constant 49952 : i32
        %lt3A_451 = vector.broadcast %lt3A_450 : i32 to vector<16xi32>
        %lt3A_452 = arith.cmpi ult, %bitcast3A, %lt3A_451 : vector<16xi32>
        %min3A_453 = arith.constant 49951 : i32
        %min3A_454 = vector.broadcast %min3A_453 : i32 to vector<16xi32>
        %min3A_455 = arith.minui %bitcast3A, %min3A_454 : vector<16xi32>
        %bitcast3A_456 = vector.bitcast %min3A_455 : vector<16xi32> to vector<16xi32>
        %gather3A = tpu.vector_load_idx %arg6[%bitcast3A_456] : memref<49952xf32, #tpu.memory_space<vmem>>[vector<16xi32>], vector<16xf32>,
        %get3A_457 = arith.index_cast %mul3A_445 : i32 to index
        %get3A_458 = tpu.vector_load %arg8[%get3A_457] {strides = array<i32>} : memref<4096xf32, #tpu.memory_space<vmem>>, vector<16xf32>,
        %select_n3A_459 = arith.select %lt3A_452, %gather3A, %get3A_458 : vector<16xi1>, vector<16xf32>
        %swap3A = arith.index_cast %mul3A_445 : i32 to index
        %swap3A_460 = tpu.vector_load %arg8[%swap3A] {strides = array<i32>} : memref<4096xf32, #tpu.memory_space<vmem>>, vector<16xf32>,
        tpu.vector_store %arg8[%swap3A], %select_n3A_459 {strides = array<i32>} : memref<4096xf32, #tpu.memory_space<vmem>>, vector<16xf32>,
        %scan3A_461 = arith.constant 1 : i32
        %scan3A_462 = arith.addi %scan3A_443, %scan3A_461 : i32
        %mul3A_463 = arith.constant 16 : i32
        %mul3A_464 = arith.muli %scan3A_462, %mul3A_463 : i32
        %get3A_465 = arith.index_cast %mul3A_464 : i32 to index
        %get3A_466 = tpu.vector_load %arg7[%get3A_465] {strides = array<i32>} : memref<4096xi32, #tpu.memory_space<vmem>>, vector<16xi32>,
        %sub3A_467 = arith.constant 50048 : i32
        %sub3A_468 = vector.broadcast %sub3A_467 : i32 to vector<16xi32>
        %sub3A_469 = arith.subi %get3A_466, %sub3A_468 : vector<16xi32>
        %bitcast3A_470 = vector.bitcast %sub3A_469 : vector<16xi32> to vector<16xi32>
        %lt3A_471 = arith.constant 49952 : i32
        %lt3A_472 = vector.broadcast %lt3A_471 : i32 to vector<16xi32>
        %lt3A_473 = arith.cmpi ult, %bitcast3A_470, %lt3A_472 : vector<16xi32>
        %min3A_474 = arith.constant 49951 : i32
        %min3A_475 = vector.broadcast %min3A_474 : i32 to vector<16xi32>
        %min3A_476 = arith.minui %bitcast3A_470, %min3A_475 : vector<16xi32>
        %bitcast3A_477 = vector.bitcast %min3A_476 : vector<16xi32> to vector<16xi32>
        %gather3A_478 = tpu.vector_load_idx %arg6[%bitcast3A_477] : memref<49952xf32, #tpu.memory_space<vmem>>[vector<16xi32>], vector<16xf32>,
        %get3A_479 = arith.index_cast %mul3A_464 : i32 to index
        %get3A_480 = tpu.vector_load %arg8[%get3A_479] {strides = array<i32>} : memref<4096xf32, #tpu.memory_space<vmem>>, vector<16xf32>,
        %select_n3A_481 = arith.select %lt3A_473, %gather3A_478, %get3A_480 : vector<16xi1>, vector<16xf32>
        %swap3A_482 = arith.index_cast %mul3A_464 : i32 to index
        %swap3A_483 = tpu.vector_load %arg8[%swap3A_482] {strides = array<i32>} : memref<4096xf32, #tpu.memory_space<vmem>>, vector<16xf32>,
        tpu.vector_store %arg8[%swap3A_482], %select_n3A_481 {strides = array<i32>} : memref<4096xf32, #tpu.memory_space<vmem>>, vector<16xf32>,
        %scan3A_484 = arith.constant 2 : i32
        %scan3A_485 = arith.addi %scan3A_443, %scan3A_484 : i32
        %mul3A_486 = arith.constant 16 : i32
        %mul3A_487 = arith.muli %scan3A_485, %mul3A_486 : i32
        %get3A_488 = arith.index_cast %mul3A_487 : i32 to index
        %get3A_489 = tpu.vector_load %arg7[%get3A_488] {strides = array<i32>} : memref<4096xi32, #tpu.memory_space<vmem>>, vector<16xi32>,
        %sub3A_490 = arith.constant 50048 : i32
        %sub3A_491 = vector.broadcast %sub3A_490 : i32 to vector<16xi32>
        %sub3A_492 = arith.subi %get3A_489, %sub3A_491 : vector<16xi32>
        %bitcast3A_493 = vector.bitcast %sub3A_492 : vector<16xi32> to vector<16xi32>
        %lt3A_494 = arith.constant 49952 : i32
        %lt3A_495 = vector.broadcast %lt3A_494 : i32 to vector<16xi32>
        %lt3A_496 = arith.cmpi ult, %bitcast3A_493, %lt3A_495 : vector<16xi32>
        %min3A_497 = arith.constant 49951 : i32
        %min3A_498 = vector.broadcast %min3A_497 : i32 to vector<16xi32>
        %min3A_499 = arith.minui %bitcast3A_493, %min3A_498 : vector<16xi32>
        %bitcast3A_500 = vector.bitcast %min3A_499 : vector<16xi32> to vector<16xi32>
        %gather3A_501 = tpu.vector_load_idx %arg6[%bitcast3A_500] : memref<49952xf32, #tpu.memory_space<vmem>>[vector<16xi32>], vector<16xf32>,
        %get3A_502 = arith.index_cast %mul3A_487 : i32 to index
        %get3A_503 = tpu.vector_load %arg8[%get3A_502] {strides = array<i32>} : memref<4096xf32, #tpu.memory_space<vmem>>, vector<16xf32>,
        %select_n3A_504 = arith.select %lt3A_496, %gather3A_501, %get3A_503 : vector<16xi1>, vector<16xf32>
        %swap3A_505 = arith.index_cast %mul3A_487 : i32 to index
        %swap3A_506 = tpu.vector_load %arg8[%swap3A_505] {strides = array<i32>} : memref<4096xf32, #tpu.memory_space<vmem>>, vector<16xf32>,
        tpu.vector_store %arg8[%swap3A_505], %select_n3A_504 {strides = array<i32>} : memref<4096xf32, #tpu.memory_space<vmem>>, vector<16xf32>,
        %scan3A_507 = arith.constant 3 : i32
        %scan3A_508 = arith.addi %scan3A_443, %scan3A_507 : i32
        %mul3A_509 = arith.constant 16 : i32
        %mul3A_510 = arith.muli %scan3A_508, %mul3A_509 : i32
        %get3A_511 = arith.index_cast %mul3A_510 : i32 to index
        %get3A_512 = tpu.vector_load %arg7[%get3A_511] {strides = array<i32>} : memref<4096xi32, #tpu.memory_space<vmem>>, vector<16xi32>,
        %sub3A_513 = arith.constant 50048 : i32
        %sub3A_514 = vector.broadcast %sub3A_513 : i32 to vector<16xi32>
        %sub3A_515 = arith.subi %get3A_512, %sub3A_514 : vector<16xi32>
        %bitcast3A_516 = vector.bitcast %sub3A_515 : vector<16xi32> to vector<16xi32>
        %lt3A_517 = arith.constant 49952 : i32
        %lt3A_518 = vector.broadcast %lt3A_517 : i32 to vector<16xi32>
        %lt3A_519 = arith.cmpi ult, %bitcast3A_516, %lt3A_518 : vector<16xi32>
        %min3A_520 = arith.constant 49951 : i32
        %min3A_521 = vector.broadcast %min3A_520 : i32 to vector<16xi32>
        %min3A_522 = arith.minui %bitcast3A_516, %min3A_521 : vector<16xi32>
        %bitcast3A_523 = vector.bitcast %min3A_522 : vector<16xi32> to vector<16xi32>
        %gather3A_524 = tpu.vector_load_idx %arg6[%bitcast3A_523] : memref<49952xf32, #tpu.memory_space<vmem>>[vector<16xi32>], vector<16xf32>,
        %get3A_525 = arith.index_cast %mul3A_510 : i32 to index
        %get3A_526 = tpu.vector_load %arg8[%get3A_525] {strides = array<i32>} : memref<4096xf32, #tpu.memory_space<vmem>>, vector<16xf32>,
        %select_n3A_527 = arith.select %lt3A_519, %gather3A_524, %get3A_526 : vector<16xi1>, vector<16xf32>
        %swap3A_528 = arith.index_cast %mul3A_510 : i32 to index
        %swap3A_529 = tpu.vector_load %arg8[%swap3A_528] {strides = array<i32>} : memref<4096xf32, #tpu.memory_space<vmem>>, vector<16xf32>,
        tpu.vector_store %arg8[%swap3A_528], %select_n3A_527 {strides = array<i32>} : memref<4096xf32, #tpu.memory_space<vmem>>, vector<16xf32>,
        %scan3A_530 = arith.constant 4 : i32
        %scan3A_531 = arith.addi %scan3A_443, %scan3A_530 : i32
        %mul3A_532 = arith.constant 16 : i32
        %mul3A_533 = arith.muli %scan3A_531, %mul3A_532 : i32
        %get3A_534 = arith.index_cast %mul3A_533 : i32 to index
        %get3A_535 = tpu.vector_load %arg7[%get3A_534] {strides = array<i32>} : memref<4096xi32, #tpu.memory_space<vmem>>, vector<16xi32>,
        %sub3A_536 = arith.constant 50048 : i32
        %sub3A_537 = vector.broadcast %sub3A_536 : i32 to vector<16xi32>
        %sub3A_538 = arith.subi %get3A_535, %sub3A_537 : vector<16xi32>
        %bitcast3A_539 = vector.bitcast %sub3A_538 : vector<16xi32> to vector<16xi32>
        %lt3A_540 = arith.constant 49952 : i32
        %lt3A_541 = vector.broadcast %lt3A_540 : i32 to vector<16xi32>
        %lt3A_542 = arith.cmpi ult, %bitcast3A_539, %lt3A_541 : vector<16xi32>
        %min3A_543 = arith.constant 49951 : i32
        %min3A_544 = vector.broadcast %min3A_543 : i32 to vector<16xi32>
        %min3A_545 = arith.minui %bitcast3A_539, %min3A_544 : vector<16xi32>
        %bitcast3A_546 = vector.bitcast %min3A_545 : vector<16xi32> to vector<16xi32>
        %gather3A_547 = tpu.vector_load_idx %arg6[%bitcast3A_546] : memref<49952xf32, #tpu.memory_space<vmem>>[vector<16xi32>], vector<16xf32>,
        %get3A_548 = arith.index_cast %mul3A_533 : i32 to index
        %get3A_549 = tpu.vector_load %arg8[%get3A_548] {strides = array<i32>} : memref<4096xf32, #tpu.memory_space<vmem>>, vector<16xf32>,
        %select_n3A_550 = arith.select %lt3A_542, %gather3A_547, %get3A_549 : vector<16xi1>, vector<16xf32>
        %swap3A_551 = arith.index_cast %mul3A_533 : i32 to index
        %swap3A_552 = tpu.vector_load %arg8[%swap3A_551] {strides = array<i32>} : memref<4096xf32, #tpu.memory_space<vmem>>, vector<16xf32>,
        tpu.vector_store %arg8[%swap3A_551], %select_n3A_550 {strides = array<i32>} : memref<4096xf32, #tpu.memory_space<vmem>>, vector<16xf32>,
        %scan3A_553 = arith.constant 5 : i32
        %scan3A_554 = arith.addi %scan3A_443, %scan3A_553 : i32
        %mul3A_555 = arith.constant 16 : i32
        %mul3A_556 = arith.muli %scan3A_554, %mul3A_555 : i32
        %get3A_557 = arith.index_cast %mul3A_556 : i32 to index
        %get3A_558 = tpu.vector_load %arg7[%get3A_557] {strides = array<i32>} : memref<4096xi32, #tpu.memory_space<vmem>>, vector<16xi32>,
        %sub3A_559 = arith.constant 50048 : i32
        %sub3A_560 = vector.broadcast %sub3A_559 : i32 to vector<16xi32>
        %sub3A_561 = arith.subi %get3A_558, %sub3A_560 : vector<16xi32>
        %bitcast3A_562 = vector.bitcast %sub3A_561 : vector<16xi32> to vector<16xi32>
        %lt3A_563 = arith.constant 49952 : i32
        %lt3A_564 = vector.broadcast %lt3A_563 : i32 to vector<16xi32>
        %lt3A_565 = arith.cmpi ult, %bitcast3A_562, %lt3A_564 : vector<16xi32>
        %min3A_566 = arith.constant 49951 : i32
        %min3A_567 = vector.broadcast %min3A_566 : i32 to vector<16xi32>
        %min3A_568 = arith.minui %bitcast3A_562, %min3A_567 : vector<16xi32>
        %bitcast3A_569 = vector.bitcast %min3A_568 : vector<16xi32> to vector<16xi32>
        %gather3A_570 = tpu.vector_load_idx %arg6[%bitcast3A_569] : memref<49952xf32, #tpu.memory_space<vmem>>[vector<16xi32>], vector<16xf32>,
        %get3A_571 = arith.index_cast %mul3A_556 : i32 to index
        %get3A_572 = tpu.vector_load %arg8[%get3A_571] {strides = array<i32>} : memref<4096xf32, #tpu.memory_space<vmem>>, vector<16xf32>,
        %select_n3A_573 = arith.select %lt3A_565, %gather3A_570, %get3A_572 : vector<16xi1>, vector<16xf32>
        %swap3A_574 = arith.index_cast %mul3A_556 : i32 to index
        %swap3A_575 = tpu.vector_load %arg8[%swap3A_574] {strides = array<i32>} : memref<4096xf32, #tpu.memory_space<vmem>>, vector<16xf32>,
        tpu.vector_store %arg8[%swap3A_574], %select_n3A_573 {strides = array<i32>} : memref<4096xf32, #tpu.memory_space<vmem>>, vector<16xf32>,
        %scan3A_576 = arith.constant 6 : i32
        %scan3A_577 = arith.addi %scan3A_443, %scan3A_576 : i32
        %mul3A_578 = arith.constant 16 : i32
        %mul3A_579 = arith.muli %scan3A_577, %mul3A_578 : i32
        %get3A_580 = arith.index_cast %mul3A_579 : i32 to index
        %get3A_581 = tpu.vector_load %arg7[%get3A_580] {strides = array<i32>} : memref<4096xi32, #tpu.memory_space<vmem>>, vector<16xi32>,
        %sub3A_582 = arith.constant 50048 : i32
        %sub3A_583 = vector.broadcast %sub3A_582 : i32 to vector<16xi32>
        %sub3A_584 = arith.subi %get3A_581, %sub3A_583 : vector<16xi32>
        %bitcast3A_585 = vector.bitcast %sub3A_584 : vector<16xi32> to vector<16xi32>
        %lt3A_586 = arith.constant 49952 : i32
        %lt3A_587 = vector.broadcast %lt3A_586 : i32 to vector<16xi32>
        %lt3A_588 = arith.cmpi ult, %bitcast3A_585, %lt3A_587 : vector<16xi32>
        %min3A_589 = arith.constant 49951 : i32
        %min3A_590 = vector.broadcast %min3A_589 : i32 to vector<16xi32>
        %min3A_591 = arith.minui %bitcast3A_585, %min3A_590 : vector<16xi32>
        %bitcast3A_592 = vector.bitcast %min3A_591 : vector<16xi32> to vector<16xi32>
        %gather3A_593 = tpu.vector_load_idx %arg6[%bitcast3A_592] : memref<49952xf32, #tpu.memory_space<vmem>>[vector<16xi32>], vector<16xf32>,
        %get3A_594 = arith.index_cast %mul3A_579 : i32 to index
        %get3A_595 = tpu.vector_load %arg8[%get3A_594] {strides = array<i32>} : memref<4096xf32, #tpu.memory_space<vmem>>, vector<16xf32>,
        %select_n3A_596 = arith.select %lt3A_588, %gather3A_593, %get3A_595 : vector<16xi1>, vector<16xf32>
        %swap3A_597 = arith.index_cast %mul3A_579 : i32 to index
        %swap3A_598 = tpu.vector_load %arg8[%swap3A_597] {strides = array<i32>} : memref<4096xf32, #tpu.memory_space<vmem>>, vector<16xf32>,
        tpu.vector_store %arg8[%swap3A_597], %select_n3A_596 {strides = array<i32>} : memref<4096xf32, #tpu.memory_space<vmem>>, vector<16xf32>,
        %scan3A_599 = arith.constant 7 : i32
        %scan3A_600 = arith.addi %scan3A_443, %scan3A_599 : i32
        %mul3A_601 = arith.constant 16 : i32
        %mul3A_602 = arith.muli %scan3A_600, %mul3A_601 : i32
        %get3A_603 = arith.index_cast %mul3A_602 : i32 to index
        %get3A_604 = tpu.vector_load %arg7[%get3A_603] {strides = array<i32>} : memref<4096xi32, #tpu.memory_space<vmem>>, vector<16xi32>,
        %sub3A_605 = arith.constant 50048 : i32
        %sub3A_606 = vector.broadcast %sub3A_605 : i32 to vector<16xi32>
        %sub3A_607 = arith.subi %get3A_604, %sub3A_606 : vector<16xi32>
        %bitcast3A_608 = vector.bitcast %sub3A_607 : vector<16xi32> to vector<16xi32>
        %lt3A_609 = arith.constant 49952 : i32
        %lt3A_610 = vector.broadcast %lt3A_609 : i32 to vector<16xi32>
        %lt3A_611 = arith.cmpi ult, %bitcast3A_608, %lt3A_610 : vector<16xi32>
        %min3A_612 = arith.constant 49951 : i32
        %min3A_613 = vector.broadcast %min3A_612 : i32 to vector<16xi32>
        %min3A_614 = arith.minui %bitcast3A_608, %min3A_613 : vector<16xi32>
        %bitcast3A_615 = vector.bitcast %min3A_614 : vector<16xi32> to vector<16xi32>
        %gather3A_616 = tpu.vector_load_idx %arg6[%bitcast3A_615] : memref<49952xf32, #tpu.memory_space<vmem>>[vector<16xi32>], vector<16xf32>,
        %get3A_617 = arith.index_cast %mul3A_602 : i32 to index
        %get3A_618 = tpu.vector_load %arg8[%get3A_617] {strides = array<i32>} : memref<4096xf32, #tpu.memory_space<vmem>>, vector<16xf32>,
        %select_n3A_619 = arith.select %lt3A_611, %gather3A_616, %get3A_618 : vector<16xi1>, vector<16xf32>
        %swap3A_620 = arith.index_cast %mul3A_602 : i32 to index
        %swap3A_621 = tpu.vector_load %arg8[%swap3A_620] {strides = array<i32>} : memref<4096xf32, #tpu.memory_space<vmem>>, vector<16xf32>,
        tpu.vector_store %arg8[%swap3A_620], %select_n3A_619 {strides = array<i32>} : memref<4096xf32, #tpu.memory_space<vmem>>, vector<16xf32>,
        %scan3A_622 = arith.constant 8 : i32
        %scan3A_623 = arith.addi %scan3A_443, %scan3A_622 : i32
        %mul3A_624 = arith.constant 16 : i32
        %mul3A_625 = arith.muli %scan3A_623, %mul3A_624 : i32
        %get3A_626 = arith.index_cast %mul3A_625 : i32 to index
        %get3A_627 = tpu.vector_load %arg7[%get3A_626] {strides = array<i32>} : memref<4096xi32, #tpu.memory_space<vmem>>, vector<16xi32>,
        %sub3A_628 = arith.constant 50048 : i32
        %sub3A_629 = vector.broadcast %sub3A_628 : i32 to vector<16xi32>
        %sub3A_630 = arith.subi %get3A_627, %sub3A_629 : vector<16xi32>
        %bitcast3A_631 = vector.bitcast %sub3A_630 : vector<16xi32> to vector<16xi32>
        %lt3A_632 = arith.constant 49952 : i32
        %lt3A_633 = vector.broadcast %lt3A_632 : i32 to vector<16xi32>
        %lt3A_634 = arith.cmpi ult, %bitcast3A_631, %lt3A_633 : vector<16xi32>
        %min3A_635 = arith.constant 49951 : i32
        %min3A_636 = vector.broadcast %min3A_635 : i32 to vector<16xi32>
        %min3A_637 = arith.minui %bitcast3A_631, %min3A_636 : vector<16xi32>
        %bitcast3A_638 = vector.bitcast %min3A_637 : vector<16xi32> to vector<16xi32>
        %gather3A_639 = tpu.vector_load_idx %arg6[%bitcast3A_638] : memref<49952xf32, #tpu.memory_space<vmem>>[vector<16xi32>], vector<16xf32>,
        %get3A_640 = arith.index_cast %mul3A_625 : i32 to index
        %get3A_641 = tpu.vector_load %arg8[%get3A_640] {strides = array<i32>} : memref<4096xf32, #tpu.memory_space<vmem>>, vector<16xf32>,
        %select_n3A_642 = arith.select %lt3A_634, %gather3A_639, %get3A_641 : vector<16xi1>, vector<16xf32>
        %swap3A_643 = arith.index_cast %mul3A_625 : i32 to index
        %swap3A_644 = tpu.vector_load %arg8[%swap3A_643] {strides = array<i32>} : memref<4096xf32, #tpu.memory_space<vmem>>, vector<16xf32>,
        tpu.vector_store %arg8[%swap3A_643], %select_n3A_642 {strides = array<i32>} : memref<4096xf32, #tpu.memory_space<vmem>>, vector<16xf32>,
        %scan3A_645 = arith.constant 9 : i32
        %scan3A_646 = arith.addi %scan3A_443, %scan3A_645 : i32
        %mul3A_647 = arith.constant 16 : i32
        %mul3A_648 = arith.muli %scan3A_646, %mul3A_647 : i32
        %get3A_649 = arith.index_cast %mul3A_648 : i32 to index
        %get3A_650 = tpu.vector_load %arg7[%get3A_649] {strides = array<i32>} : memref<4096xi32, #tpu.memory_space<vmem>>, vector<16xi32>,
        %sub3A_651 = arith.constant 50048 : i32
        %sub3A_652 = vector.broadcast %sub3A_651 : i32 to vector<16xi32>
        %sub3A_653 = arith.subi %get3A_650, %sub3A_652 : vector<16xi32>
        %bitcast3A_654 = vector.bitcast %sub3A_653 : vector<16xi32> to vector<16xi32>
        %lt3A_655 = arith.constant 49952 : i32
        %lt3A_656 = vector.broadcast %lt3A_655 : i32 to vector<16xi32>
        %lt3A_657 = arith.cmpi ult, %bitcast3A_654, %lt3A_656 : vector<16xi32>
        %min3A_658 = arith.constant 49951 : i32
        %min3A_659 = vector.broadcast %min3A_658 : i32 to vector<16xi32>
        %min3A_660 = arith.minui %bitcast3A_654, %min3A_659 : vector<16xi32>
        %bitcast3A_661 = vector.bitcast %min3A_660 : vector<16xi32> to vector<16xi32>
        %gather3A_662 = tpu.vector_load_idx %arg6[%bitcast3A_661] : memref<49952xf32, #tpu.memory_space<vmem>>[vector<16xi32>], vector<16xf32>,
        %get3A_663 = arith.index_cast %mul3A_648 : i32 to index
        %get3A_664 = tpu.vector_load %arg8[%get3A_663] {strides = array<i32>} : memref<4096xf32, #tpu.memory_space<vmem>>, vector<16xf32>,
        %select_n3A_665 = arith.select %lt3A_657, %gather3A_662, %get3A_664 : vector<16xi1>, vector<16xf32>
        %swap3A_666 = arith.index_cast %mul3A_648 : i32 to index
        %swap3A_667 = tpu.vector_load %arg8[%swap3A_666] {strides = array<i32>} : memref<4096xf32, #tpu.memory_space<vmem>>, vector<16xf32>,
        tpu.vector_store %arg8[%swap3A_666], %select_n3A_665 {strides = array<i32>} : memref<4096xf32, #tpu.memory_space<vmem>>, vector<16xf32>,
        %scan3A_668 = arith.constant 10 : i32
        %scan3A_669 = arith.addi %scan3A_443, %scan3A_668 : i32
        %mul3A_670 = arith.constant 16 : i32
        %mul3A_671 = arith.muli %scan3A_669, %mul3A_670 : i32
        %get3A_672 = arith.index_cast %mul3A_671 : i32 to index
        %get3A_673 = tpu.vector_load %arg7[%get3A_672] {strides = array<i32>} : memref<4096xi32, #tpu.memory_space<vmem>>, vector<16xi32>,
        %sub3A_674 = arith.constant 50048 : i32
        %sub3A_675 = vector.broadcast %sub3A_674 : i32 to vector<16xi32>
        %sub3A_676 = arith.subi %get3A_673, %sub3A_675 : vector<16xi32>
        %bitcast3A_677 = vector.bitcast %sub3A_676 : vector<16xi32> to vector<16xi32>
        %lt3A_678 = arith.constant 49952 : i32
        %lt3A_679 = vector.broadcast %lt3A_678 : i32 to vector<16xi32>
        %lt3A_680 = arith.cmpi ult, %bitcast3A_677, %lt3A_679 : vector<16xi32>
        %min3A_681 = arith.constant 49951 : i32
        %min3A_682 = vector.broadcast %min3A_681 : i32 to vector<16xi32>
        %min3A_683 = arith.minui %bitcast3A_677, %min3A_682 : vector<16xi32>
        %bitcast3A_684 = vector.bitcast %min3A_683 : vector<16xi32> to vector<16xi32>
        %gather3A_685 = tpu.vector_load_idx %arg6[%bitcast3A_684] : memref<49952xf32, #tpu.memory_space<vmem>>[vector<16xi32>], vector<16xf32>,
        %get3A_686 = arith.index_cast %mul3A_671 : i32 to index
        %get3A_687 = tpu.vector_load %arg8[%get3A_686] {strides = array<i32>} : memref<4096xf32, #tpu.memory_space<vmem>>, vector<16xf32>,
        %select_n3A_688 = arith.select %lt3A_680, %gather3A_685, %get3A_687 : vector<16xi1>, vector<16xf32>
        %swap3A_689 = arith.index_cast %mul3A_671 : i32 to index
        %swap3A_690 = tpu.vector_load %arg8[%swap3A_689] {strides = array<i32>} : memref<4096xf32, #tpu.memory_space<vmem>>, vector<16xf32>,
        tpu.vector_store %arg8[%swap3A_689], %select_n3A_688 {strides = array<i32>} : memref<4096xf32, #tpu.memory_space<vmem>>, vector<16xf32>,
        %scan3A_691 = arith.constant 11 : i32
        %scan3A_692 = arith.addi %scan3A_443, %scan3A_691 : i32
        %mul3A_693 = arith.constant 16 : i32
        %mul3A_694 = arith.muli %scan3A_692, %mul3A_693 : i32
        %get3A_695 = arith.index_cast %mul3A_694 : i32 to index
        %get3A_696 = tpu.vector_load %arg7[%get3A_695] {strides = array<i32>} : memref<4096xi32, #tpu.memory_space<vmem>>, vector<16xi32>,
        %sub3A_697 = arith.constant 50048 : i32
        %sub3A_698 = vector.broadcast %sub3A_697 : i32 to vector<16xi32>
        %sub3A_699 = arith.subi %get3A_696, %sub3A_698 : vector<16xi32>
        %bitcast3A_700 = vector.bitcast %sub3A_699 : vector<16xi32> to vector<16xi32>
        %lt3A_701 = arith.constant 49952 : i32
        %lt3A_702 = vector.broadcast %lt3A_701 : i32 to vector<16xi32>
        %lt3A_703 = arith.cmpi ult, %bitcast3A_700, %lt3A_702 : vector<16xi32>
        %min3A_704 = arith.constant 49951 : i32
        %min3A_705 = vector.broadcast %min3A_704 : i32 to vector<16xi32>
        %min3A_706 = arith.minui %bitcast3A_700, %min3A_705 : vector<16xi32>
        %bitcast3A_707 = vector.bitcast %min3A_706 : vector<16xi32> to vector<16xi32>
        %gather3A_708 = tpu.vector_load_idx %arg6[%bitcast3A_707] : memref<49952xf32, #tpu.memory_space<vmem>>[vector<16xi32>], vector<16xf32>,
        %get3A_709 = arith.index_cast %mul3A_694 : i32 to index
        %get3A_710 = tpu.vector_load %arg8[%get3A_709] {strides = array<i32>} : memref<4096xf32, #tpu.memory_space<vmem>>, vector<16xf32>,
        %select_n3A_711 = arith.select %lt3A_703, %gather3A_708, %get3A_710 : vector<16xi1>, vector<16xf32>
        %swap3A_712 = arith.index_cast %mul3A_694 : i32 to index
        %swap3A_713 = tpu.vector_load %arg8[%swap3A_712] {strides = array<i32>} : memref<4096xf32, #tpu.memory_space<vmem>>, vector<16xf32>,
        tpu.vector_store %arg8[%swap3A_712], %select_n3A_711 {strides = array<i32>} : memref<4096xf32, #tpu.memory_space<vmem>>, vector<16xf32>,
        %scan3A_714 = arith.constant 12 : i32
        %scan3A_715 = arith.addi %scan3A_443, %scan3A_714 : i32
        %mul3A_716 = arith.constant 16 : i32
        %mul3A_717 = arith.muli %scan3A_715, %mul3A_716 : i32
        %get3A_718 = arith.index_cast %mul3A_717 : i32 to index
        %get3A_719 = tpu.vector_load %arg7[%get3A_718] {strides = array<i32>} : memref<4096xi32, #tpu.memory_space<vmem>>, vector<16xi32>,
        %sub3A_720 = arith.constant 50048 : i32
        %sub3A_721 = vector.broadcast %sub3A_720 : i32 to vector<16xi32>
        %sub3A_722 = arith.subi %get3A_719, %sub3A_721 : vector<16xi32>
        %bitcast3A_723 = vector.bitcast %sub3A_722 : vector<16xi32> to vector<16xi32>
        %lt3A_724 = arith.constant 49952 : i32
        %lt3A_725 = vector.broadcast %lt3A_724 : i32 to vector<16xi32>
        %lt3A_726 = arith.cmpi ult, %bitcast3A_723, %lt3A_725 : vector<16xi32>
        %min3A_727 = arith.constant 49951 : i32
        %min3A_728 = vector.broadcast %min3A_727 : i32 to vector<16xi32>
        %min3A_729 = arith.minui %bitcast3A_723, %min3A_728 : vector<16xi32>
        %bitcast3A_730 = vector.bitcast %min3A_729 : vector<16xi32> to vector<16xi32>
        %gather3A_731 = tpu.vector_load_idx %arg6[%bitcast3A_730] : memref<49952xf32, #tpu.memory_space<vmem>>[vector<16xi32>], vector<16xf32>,
        %get3A_732 = arith.index_cast %mul3A_717 : i32 to index
        %get3A_733 = tpu.vector_load %arg8[%get3A_732] {strides = array<i32>} : memref<4096xf32, #tpu.memory_space<vmem>>, vector<16xf32>,
        %select_n3A_734 = arith.select %lt3A_726, %gather3A_731, %get3A_733 : vector<16xi1>, vector<16xf32>
        %swap3A_735 = arith.index_cast %mul3A_717 : i32 to index
        %swap3A_736 = tpu.vector_load %arg8[%swap3A_735] {strides = array<i32>} : memref<4096xf32, #tpu.memory_space<vmem>>, vector<16xf32>,
        tpu.vector_store %arg8[%swap3A_735], %select_n3A_734 {strides = array<i32>} : memref<4096xf32, #tpu.memory_space<vmem>>, vector<16xf32>,
        %scan3A_737 = arith.constant 13 : i32
        %scan3A_738 = arith.addi %scan3A_443, %scan3A_737 : i32
        %mul3A_739 = arith.constant 16 : i32
        %mul3A_740 = arith.muli %scan3A_738, %mul3A_739 : i32
        %get3A_741 = arith.index_cast %mul3A_740 : i32 to index
        %get3A_742 = tpu.vector_load %arg7[%get3A_741] {strides = array<i32>} : memref<4096xi32, #tpu.memory_space<vmem>>, vector<16xi32>,
        %sub3A_743 = arith.constant 50048 : i32
        %sub3A_744 = vector.broadcast %sub3A_743 : i32 to vector<16xi32>
        %sub3A_745 = arith.subi %get3A_742, %sub3A_744 : vector<16xi32>
        %bitcast3A_746 = vector.bitcast %sub3A_745 : vector<16xi32> to vector<16xi32>
        %lt3A_747 = arith.constant 49952 : i32
        %lt3A_748 = vector.broadcast %lt3A_747 : i32 to vector<16xi32>
        %lt3A_749 = arith.cmpi ult, %bitcast3A_746, %lt3A_748 : vector<16xi32>
        %min3A_750 = arith.constant 49951 : i32
        %min3A_751 = vector.broadcast %min3A_750 : i32 to vector<16xi32>
        %min3A_752 = arith.minui %bitcast3A_746, %min3A_751 : vector<16xi32>
        %bitcast3A_753 = vector.bitcast %min3A_752 : vector<16xi32> to vector<16xi32>
        %gather3A_754 = tpu.vector_load_idx %arg6[%bitcast3A_753] : memref<49952xf32, #tpu.memory_space<vmem>>[vector<16xi32>], vector<16xf32>,
        %get3A_755 = arith.index_cast %mul3A_740 : i32 to index
        %get3A_756 = tpu.vector_load %arg8[%get3A_755] {strides = array<i32>} : memref<4096xf32, #tpu.memory_space<vmem>>, vector<16xf32>,
        %select_n3A_757 = arith.select %lt3A_749, %gather3A_754, %get3A_756 : vector<16xi1>, vector<16xf32>
        %swap3A_758 = arith.index_cast %mul3A_740 : i32 to index
        %swap3A_759 = tpu.vector_load %arg8[%swap3A_758] {strides = array<i32>} : memref<4096xf32, #tpu.memory_space<vmem>>, vector<16xf32>,
        tpu.vector_store %arg8[%swap3A_758], %select_n3A_757 {strides = array<i32>} : memref<4096xf32, #tpu.memory_space<vmem>>, vector<16xf32>,
        %scan3A_760 = arith.constant 14 : i32
        %scan3A_761 = arith.addi %scan3A_443, %scan3A_760 : i32
        %mul3A_762 = arith.constant 16 : i32
        %mul3A_763 = arith.muli %scan3A_761, %mul3A_762 : i32
        %get3A_764 = arith.index_cast %mul3A_763 : i32 to index
        %get3A_765 = tpu.vector_load %arg7[%get3A_764] {strides = array<i32>} : memref<4096xi32, #tpu.memory_space<vmem>>, vector<16xi32>,
        %sub3A_766 = arith.constant 50048 : i32
        %sub3A_767 = vector.broadcast %sub3A_766 : i32 to vector<16xi32>
        %sub3A_768 = arith.subi %get3A_765, %sub3A_767 : vector<16xi32>
        %bitcast3A_769 = vector.bitcast %sub3A_768 : vector<16xi32> to vector<16xi32>
        %lt3A_770 = arith.constant 49952 : i32
        %lt3A_771 = vector.broadcast %lt3A_770 : i32 to vector<16xi32>
        %lt3A_772 = arith.cmpi ult, %bitcast3A_769, %lt3A_771 : vector<16xi32>
        %min3A_773 = arith.constant 49951 : i32
        %min3A_774 = vector.broadcast %min3A_773 : i32 to vector<16xi32>
        %min3A_775 = arith.minui %bitcast3A_769, %min3A_774 : vector<16xi32>
        %bitcast3A_776 = vector.bitcast %min3A_775 : vector<16xi32> to vector<16xi32>
        %gather3A_777 = tpu.vector_load_idx %arg6[%bitcast3A_776] : memref<49952xf32, #tpu.memory_space<vmem>>[vector<16xi32>], vector<16xf32>,
        %get3A_778 = arith.index_cast %mul3A_763 : i32 to index
        %get3A_779 = tpu.vector_load %arg8[%get3A_778] {strides = array<i32>} : memref<4096xf32, #tpu.memory_space<vmem>>, vector<16xf32>,
        %select_n3A_780 = arith.select %lt3A_772, %gather3A_777, %get3A_779 : vector<16xi1>, vector<16xf32>
        %swap3A_781 = arith.index_cast %mul3A_763 : i32 to index
        %swap3A_782 = tpu.vector_load %arg8[%swap3A_781] {strides = array<i32>} : memref<4096xf32, #tpu.memory_space<vmem>>, vector<16xf32>,
        tpu.vector_store %arg8[%swap3A_781], %select_n3A_780 {strides = array<i32>} : memref<4096xf32, #tpu.memory_space<vmem>>, vector<16xf32>,
        %scan3A_783 = arith.constant 15 : i32
        %scan3A_784 = arith.addi %scan3A_443, %scan3A_783 : i32
        %mul3A_785 = arith.constant 16 : i32
        %mul3A_786 = arith.muli %scan3A_784, %mul3A_785 : i32
        %get3A_787 = arith.index_cast %mul3A_786 : i32 to index
        %get3A_788 = tpu.vector_load %arg7[%get3A_787] {strides = array<i32>} : memref<4096xi32, #tpu.memory_space<vmem>>, vector<16xi32>,
        %sub3A_789 = arith.constant 50048 : i32
        %sub3A_790 = vector.broadcast %sub3A_789 : i32 to vector<16xi32>
        %sub3A_791 = arith.subi %get3A_788, %sub3A_790 : vector<16xi32>
        %bitcast3A_792 = vector.bitcast %sub3A_791 : vector<16xi32> to vector<16xi32>
        %lt3A_793 = arith.constant 49952 : i32
        %lt3A_794 = vector.broadcast %lt3A_793 : i32 to vector<16xi32>
        %lt3A_795 = arith.cmpi ult, %bitcast3A_792, %lt3A_794 : vector<16xi32>
        %min3A_796 = arith.constant 49951 : i32
        %min3A_797 = vector.broadcast %min3A_796 : i32 to vector<16xi32>
        %min3A_798 = arith.minui %bitcast3A_792, %min3A_797 : vector<16xi32>
        %bitcast3A_799 = vector.bitcast %min3A_798 : vector<16xi32> to vector<16xi32>
        %gather3A_800 = tpu.vector_load_idx %arg6[%bitcast3A_799] : memref<49952xf32, #tpu.memory_space<vmem>>[vector<16xi32>], vector<16xf32>,
        %get3A_801 = arith.index_cast %mul3A_786 : i32 to index
        %get3A_802 = tpu.vector_load %arg8[%get3A_801] {strides = array<i32>} : memref<4096xf32, #tpu.memory_space<vmem>>, vector<16xf32>,
        %select_n3A_803 = arith.select %lt3A_795, %gather3A_800, %get3A_802 : vector<16xi1>, vector<16xf32>
        %swap3A_804 = arith.index_cast %mul3A_786 : i32 to index
        %swap3A_805 = tpu.vector_load %arg8[%swap3A_804] {strides = array<i32>} : memref<4096xf32, #tpu.memory_space<vmem>>, vector<16xf32>,
        tpu.vector_store %arg8[%swap3A_804], %select_n3A_803 {strides = array<i32>} : memref<4096xf32, #tpu.memory_space<vmem>>, vector<16xf32>,
      }
      %scan3A_230 = arith.constant 256 : i32
      %jit3A_231 = arith.constant 32 : i32
      %div3A_232 = arith.divsi %min3A_170, %jit3A_231 : i32
      %sign3A_233 = arith.constant 0 : i32
      %sign3A_234 = arith.cmpi sgt, %min3A_170, %sign3A_233 : i32
      %sign3A_235 = arith.extui %sign3A_234 : i1 to i32
      %sign3A_236 = arith.constant 0 : i32
      %sign3A_237 = arith.cmpi slt, %min3A_170, %sign3A_236 : i32
      %sign3A_238 = arith.extui %sign3A_237 : i1 to i32
      %sign3A_239 = arith.subi %sign3A_235, %sign3A_238 : i32
      %sign3A_240 = arith.constant 0 : i32
      %sign3A_241 = arith.cmpi sgt, %jit3A_231, %sign3A_240 : i32
      %sign3A_242 = arith.extui %sign3A_241 : i1 to i32
      %sign3A_243 = arith.constant 0 : i32
      %sign3A_244 = arith.cmpi slt, %jit3A_231, %sign3A_243 : i32
      %sign3A_245 = arith.extui %sign3A_244 : i1 to i32
      %sign3A_246 = arith.subi %sign3A_242, %sign3A_245 : i32
      %ne3A_247 = arith.cmpi ne, %sign3A_239, %sign3A_246 : i32
      %rem3A_248 = arith.remsi %min3A_170, %jit3A_231 : i32
      %ne3A_249 = arith.constant 0 : i32
      %ne3A_250 = arith.cmpi ne, %rem3A_248, %ne3A_249 : i32
      %and3A_251 = arith.andi %ne3A_247, %ne3A_250 : i1
      %sub3A_252 = arith.constant 1 : i32
      %sub3A_253 = arith.subi %div3A_232, %sub3A_252 : i32
      %select_n3A_254 = arith.select %and3A_251, %sub3A_253, %div3A_232 : i32
      %jit3A_255 = arith.constant 32 : i32
      %eq3A_256 = arith.constant 0 : i32
      %eq3A_257 = arith.cmpi eq, %jit3A_255, %eq3A_256 : i32
      %jit3A_258 = arith.constant 1 : i32
      %select_n3A_259 = arith.select %eq3A_257, %jit3A_258, %jit3A_255 : i32
      %rem3A_260 = arith.remsi %min3A_170, %select_n3A_259 : i32
      %ne3A_261 = arith.constant 0 : i32
      %ne3A_262 = arith.cmpi ne, %rem3A_260, %ne3A_261 : i32
      %lt3A_263 = arith.constant 0 : i32
      %lt3A_264 = arith.cmpi slt, %rem3A_260, %lt3A_263 : i32
      %lt3A_265 = arith.constant 0 : i32
      %lt3A_266 = arith.cmpi slt, %select_n3A_259, %lt3A_265 : i32
      %ne3A_267 = arith.xori %lt3A_264, %lt3A_266 : i1
      %and3A_268 = arith.andi %ne3A_267, %ne3A_262 : i1
      %add3A_269 = arith.addi %rem3A_260, %select_n3A_259 : i32
      %select_n3A_270 = arith.select %and3A_268, %add3A_269, %rem3A_260 : i32
      %dma_start3A_271 = arith.constant 50048 : i32
      %dma_start3A_272 = tpu.memref_slice %arg2[%select_n3A_254, %select_n3A_270, %dma_start3A_271] : memref<26x32x100000xf32, #tpu.memory_space<hbm>> -> memref<1x1x49952xf32, #tpu.memory_space<hbm>>
      %dma_start3A_273 = tpu.memref_squeeze %dma_start3A_272 : memref<1x1x49952xf32, #tpu.memory_space<hbm>> -> memref<49952xf32, #tpu.memory_space<hbm>>
      %dma_start3A_274 = arith.constant 50048 : i32
      %dma_start3A_275 = tpu.memref_slice %arg2[%select_n3A_254, %select_n3A_270, %dma_start3A_274] : memref<26x32x100000xf32, #tpu.memory_space<hbm>> -> memref<1x1x49952xf32, #tpu.memory_space<hbm>>
      %dma_start3A_276 = tpu.memref_squeeze %dma_start3A_275 : memref<1x1x49952xf32, #tpu.memory_space<hbm>> -> memref<49952xf32, #tpu.memory_space<hbm>>
      tpu.enqueue_dma source(%dma_start3A_276 : memref<49952xf32, #tpu.memory_space<hbm>>) target(%arg6 : memref<49952xf32, #tpu.memory_space<vmem>>) target_semaphore(%arg11 : memref<!tpu.dma_semaphore, #tpu.memory_space<semaphore_mem>>)
      %dma_start3A_277 = arith.constant 0 : i32
      %dma_start3A_278 = tpu.memref_slice %arg4[%add3A_125, %dma_start3A_277] : memref<832x4096xf32, #tpu.memory_space<hbm>> -> memref<1x4096xf32, #tpu.memory_space<hbm>>
      %dma_start3A_279 = tpu.memref_squeeze %dma_start3A_278 : memref<1x4096xf32, #tpu.memory_space<hbm>> -> memref<4096xf32, #tpu.memory_space<hbm>>
      %dma_start3A_280 = arith.constant 0 : i32
      %dma_start3A_281 = tpu.memref_slice %arg4[%add3A_125, %dma_start3A_280] : memref<832x4096xf32, #tpu.memory_space<hbm>> -> memref<1x4096xf32, #tpu.memory_space<hbm>>
      %dma_start3A_282 = tpu.memref_squeeze %dma_start3A_281 : memref<1x4096xf32, #tpu.memory_space<hbm>> -> memref<4096xf32, #tpu.memory_space<hbm>>
      tpu.enqueue_dma source(%arg8 : memref<4096xf32, #tpu.memory_space<vmem>>) target(%dma_start3A_282 : memref<4096xf32, #tpu.memory_space<hbm>>) target_semaphore(%arg12 : memref<!tpu.dma_semaphore, #tpu.memory_space<semaphore_mem>>)
      %add3A_283 = arith.constant 1 : i32
      %add3A_284 = arith.addi %add3A_125, %add3A_283 : i32
      %jit3A_285 = arith.constant 32 : i32
      %div3A_286 = arith.divsi %add3A_284, %jit3A_285 : i32
      %sign3A_287 = arith.constant 0 : i32
      %sign3A_288 = arith.cmpi sgt, %add3A_284, %sign3A_287 : i32
      %sign3A_289 = arith.extui %sign3A_288 : i1 to i32
      %sign3A_290 = arith.constant 0 : i32
      %sign3A_291 = arith.cmpi slt, %add3A_284, %sign3A_290 : i32
      %sign3A_292 = arith.extui %sign3A_291 : i1 to i32
      %sign3A_293 = arith.subi %sign3A_289, %sign3A_292 : i32
      %sign3A_294 = arith.constant 0 : i32
      %sign3A_295 = arith.cmpi sgt, %jit3A_285, %sign3A_294 : i32
      %sign3A_296 = arith.extui %sign3A_295 : i1 to i32
      %sign3A_297 = arith.constant 0 : i32
      %sign3A_298 = arith.cmpi slt, %jit3A_285, %sign3A_297 : i32
      %sign3A_299 = arith.extui %sign3A_298 : i1 to i32
      %sign3A_300 = arith.subi %sign3A_296, %sign3A_299 : i32
      %ne3A_301 = arith.cmpi ne, %sign3A_293, %sign3A_300 : i32
      %rem3A_302 = arith.remsi %add3A_284, %jit3A_285 : i32
      %ne3A_303 = arith.constant 0 : i32
      %ne3A_304 = arith.cmpi ne, %rem3A_302, %ne3A_303 : i32
      %and3A_305 = arith.andi %ne3A_301, %ne3A_304 : i1
      %sub3A_306 = arith.constant 1 : i32
      %sub3A_307 = arith.subi %div3A_286, %sub3A_306 : i32
      %select_n3A_308 = arith.select %and3A_305, %sub3A_307, %div3A_286 : i32
      %ne3A_309 = arith.cmpi ne, %select_n3A_308, %select_n3A_149 : i32
      %convert_element_type3A_310 = arith.extui %ne3A_309 : i1 to i32
      %cond3A_311 = arith.constant 0 : i32
      %cond3A_312 = arith.cmpi ne, %convert_element_type3A_310, %cond3A_311 : i32
      scf.if %cond3A_312 {
        "tpu.region"() ({
          %run_scoped3A = tpu.sem_alloc : memref<!tpu.dma_semaphore, #tpu.memory_space<semaphore_mem>>
          %dma_start3A_443 = arith.constant 0 : i32
          %dma_start3A_444 = tpu.memref_slice %arg3[%select_n3A_308, %dma_start3A_443] : memref<26x4096xi32, #tpu.memory_space<hbm>> -> memref<1x4096xi32, #tpu.memory_space<hbm>>
          %dma_start3A_445 = tpu.memref_squeeze %dma_start3A_444 : memref<1x4096xi32, #tpu.memory_space<hbm>> -> memref<4096xi32, #tpu.memory_space<hbm>>
          %dma_start3A_446 = arith.constant 0 : i32
          %dma_start3A_447 = tpu.memref_slice %arg3[%select_n3A_308, %dma_start3A_446] : memref<26x4096xi32, #tpu.memory_space<hbm>> -> memref<1x4096xi32, #tpu.memory_space<hbm>>
          %dma_start3A_448 = tpu.memref_squeeze %dma_start3A_447 : memref<1x4096xi32, #tpu.memory_space<hbm>> -> memref<4096xi32, #tpu.memory_space<hbm>>
          tpu.enqueue_dma source(%dma_start3A_448 : memref<4096xi32, #tpu.memory_space<hbm>>) target(%arg7 : memref<4096xi32, #tpu.memory_space<vmem>>) target_semaphore(%run_scoped3A : memref<!tpu.dma_semaphore, #tpu.memory_space<semaphore_mem>>)
          %dma_wait3A_449 = arith.constant 0 : i32
          %dma_wait3A_450 = tpu.memref_slice %arg3[%select_n3A_308, %dma_wait3A_449] : memref<26x4096xi32, #tpu.memory_space<hbm>> -> memref<1x4096xi32, #tpu.memory_space<hbm>>
          %dma_wait3A_451 = tpu.memref_squeeze %dma_wait3A_450 : memref<1x4096xi32, #tpu.memory_space<hbm>> -> memref<4096xi32, #tpu.memory_space<hbm>>
          %dma_wait3A_452 = arith.constant 0 : i32
          %dma_wait3A_453 = tpu.memref_slice %arg3[%select_n3A_308, %dma_wait3A_452] : memref<26x4096xi32, #tpu.memory_space<hbm>> -> memref<1x4096xi32, #tpu.memory_space<hbm>>
          %dma_wait3A_454 = tpu.memref_squeeze %dma_wait3A_453 : memref<1x4096xi32, #tpu.memory_space<hbm>> -> memref<4096xi32, #tpu.memory_space<hbm>>
          tpu.wait_dma2 semaphore(%run_scoped3A : memref<!tpu.dma_semaphore, #tpu.memory_space<semaphore_mem>>) src(%dma_wait3A_454 : memref<4096xi32, #tpu.memory_space<hbm>>) dst(%arg7 : memref<4096xi32, #tpu.memory_space<vmem>>)
          tpu.yield
        }) : () -> ()
      } else {
      }
      %dma_wait3A_313 = arith.constant 0 : i32
      %dma_wait3A_314 = arith.constant 0 : i32
      %dma_wait3A_315 = arith.constant 0 : i32
      %dma_wait3A_316 = tpu.memref_slice %arg2[%dma_wait3A_313, %dma_wait3A_314, %dma_wait3A_315] : memref<26x32x100000xf32, #tpu.memory_space<hbm>> -> memref<1x1x50048xf32, #tpu.memory_space<hbm>>
      %dma_wait3A_317 = tpu.memref_squeeze %dma_wait3A_316 : memref<1x1x50048xf32, #tpu.memory_space<hbm>> -> memref<50048xf32, #tpu.memory_space<hbm>>
      %dma_wait3A_318 = arith.constant 0 : i32
      %dma_wait3A_319 = tpu.memref_slice %arg2[%dma_wait3A_313, %dma_wait3A_314, %dma_wait3A_318] : memref<26x32x100000xf32, #tpu.memory_space<hbm>> -> memref<1x1x50048xf32, #tpu.memory_space<hbm>>
      %dma_wait3A_320 = tpu.memref_squeeze %dma_wait3A_319 : memref<1x1x50048xf32, #tpu.memory_space<hbm>> -> memref<50048xf32, #tpu.memory_space<hbm>>
      tpu.wait_dma2 semaphore(%arg10 : memref<!tpu.dma_semaphore, #tpu.memory_space<semaphore_mem>>) src(%dma_wait3A_320 : memref<50048xf32, #tpu.memory_space<hbm>>) dst(%arg5 : memref<50048xf32, #tpu.memory_space<vmem>>)
      %scan3A_321 = arith.constant 0 : i32
      %scan3A_322 = arith.constant 0 : i32
      %scan3A_323 = arith.constant 256 : i32
      %scan3A_324 = arith.addi %scan3A_322, %scan3A_323 : i32
      %scan3A_325 = arith.constant 16 : i32
      scf.for %scan3A_443 = %scan3A_322 to %scan3A_324 step %scan3A_325  : i32 {
        %mul3A_444 = arith.constant 16 : i32
        %mul3A_445 = arith.muli %scan3A_443, %mul3A_444 : i32
        %get3A = arith.index_cast %mul3A_445 : i32 to index
        %get3A_446 = tpu.vector_load %arg7[%get3A] {strides = array<i32>} : memref<4096xi32, #tpu.memory_space<vmem>>, vector<16xi32>,
        %bitcast3A = vector.bitcast %get3A_446 : vector<16xi32> to vector<16xi32>
        %lt3A_447 = arith.constant 50048 : i32
        %lt3A_448 = vector.broadcast %lt3A_447 : i32 to vector<16xi32>
        %lt3A_449 = arith.cmpi ult, %bitcast3A, %lt3A_448 : vector<16xi32>
        %min3A_450 = arith.constant 50047 : i32
        %min3A_451 = vector.broadcast %min3A_450 : i32 to vector<16xi32>
        %min3A_452 = arith.minui %bitcast3A, %min3A_451 : vector<16xi32>
        %bitcast3A_453 = vector.bitcast %min3A_452 : vector<16xi32> to vector<16xi32>
        %gather3A = tpu.vector_load_idx %arg5[%bitcast3A_453] : memref<50048xf32, #tpu.memory_space<vmem>>[vector<16xi32>], vector<16xf32>,
        %swap3A = arith.index_cast %mul3A_445 : i32 to index
        %swap3A_454 = tpu.vector_load %arg9[%swap3A] {strides = array<i32>} : memref<4096xf32, #tpu.memory_space<vmem>>, vector<16xf32>,
        tpu.vector_store %arg9[%swap3A], %gather3A {strides = array<i32>} : memref<4096xf32, #tpu.memory_space<vmem>>, vector<16xf32>,
        %scan3A_455 = arith.constant 1 : i32
        %scan3A_456 = arith.addi %scan3A_443, %scan3A_455 : i32
        %mul3A_457 = arith.constant 16 : i32
        %mul3A_458 = arith.muli %scan3A_456, %mul3A_457 : i32
        %get3A_459 = arith.index_cast %mul3A_458 : i32 to index
        %get3A_460 = tpu.vector_load %arg7[%get3A_459] {strides = array<i32>} : memref<4096xi32, #tpu.memory_space<vmem>>, vector<16xi32>,
        %bitcast3A_461 = vector.bitcast %get3A_460 : vector<16xi32> to vector<16xi32>
        %lt3A_462 = arith.constant 50048 : i32
        %lt3A_463 = vector.broadcast %lt3A_462 : i32 to vector<16xi32>
        %lt3A_464 = arith.cmpi ult, %bitcast3A_461, %lt3A_463 : vector<16xi32>
        %min3A_465 = arith.constant 50047 : i32
        %min3A_466 = vector.broadcast %min3A_465 : i32 to vector<16xi32>
        %min3A_467 = arith.minui %bitcast3A_461, %min3A_466 : vector<16xi32>
        %bitcast3A_468 = vector.bitcast %min3A_467 : vector<16xi32> to vector<16xi32>
        %gather3A_469 = tpu.vector_load_idx %arg5[%bitcast3A_468] : memref<50048xf32, #tpu.memory_space<vmem>>[vector<16xi32>], vector<16xf32>,
        %swap3A_470 = arith.index_cast %mul3A_458 : i32 to index
        %swap3A_471 = tpu.vector_load %arg9[%swap3A_470] {strides = array<i32>} : memref<4096xf32, #tpu.memory_space<vmem>>, vector<16xf32>,
        tpu.vector_store %arg9[%swap3A_470], %gather3A_469 {strides = array<i32>} : memref<4096xf32, #tpu.memory_space<vmem>>, vector<16xf32>,
        %scan3A_472 = arith.constant 2 : i32
        %scan3A_473 = arith.addi %scan3A_443, %scan3A_472 : i32
        %mul3A_474 = arith.constant 16 : i32
        %mul3A_475 = arith.muli %scan3A_473, %mul3A_474 : i32
        %get3A_476 = arith.index_cast %mul3A_475 : i32 to index
        %get3A_477 = tpu.vector_load %arg7[%get3A_476] {strides = array<i32>} : memref<4096xi32, #tpu.memory_space<vmem>>, vector<16xi32>,
        %bitcast3A_478 = vector.bitcast %get3A_477 : vector<16xi32> to vector<16xi32>
        %lt3A_479 = arith.constant 50048 : i32
        %lt3A_480 = vector.broadcast %lt3A_479 : i32 to vector<16xi32>
        %lt3A_481 = arith.cmpi ult, %bitcast3A_478, %lt3A_480 : vector<16xi32>
        %min3A_482 = arith.constant 50047 : i32
        %min3A_483 = vector.broadcast %min3A_482 : i32 to vector<16xi32>
        %min3A_484 = arith.minui %bitcast3A_478, %min3A_483 : vector<16xi32>
        %bitcast3A_485 = vector.bitcast %min3A_484 : vector<16xi32> to vector<16xi32>
        %gather3A_486 = tpu.vector_load_idx %arg5[%bitcast3A_485] : memref<50048xf32, #tpu.memory_space<vmem>>[vector<16xi32>], vector<16xf32>,
        %swap3A_487 = arith.index_cast %mul3A_475 : i32 to index
        %swap3A_488 = tpu.vector_load %arg9[%swap3A_487] {strides = array<i32>} : memref<4096xf32, #tpu.memory_space<vmem>>, vector<16xf32>,
        tpu.vector_store %arg9[%swap3A_487], %gather3A_486 {strides = array<i32>} : memref<4096xf32, #tpu.memory_space<vmem>>, vector<16xf32>,
        %scan3A_489 = arith.constant 3 : i32
        %scan3A_490 = arith.addi %scan3A_443, %scan3A_489 : i32
        %mul3A_491 = arith.constant 16 : i32
        %mul3A_492 = arith.muli %scan3A_490, %mul3A_491 : i32
        %get3A_493 = arith.index_cast %mul3A_492 : i32 to index
        %get3A_494 = tpu.vector_load %arg7[%get3A_493] {strides = array<i32>} : memref<4096xi32, #tpu.memory_space<vmem>>, vector<16xi32>,
        %bitcast3A_495 = vector.bitcast %get3A_494 : vector<16xi32> to vector<16xi32>
        %lt3A_496 = arith.constant 50048 : i32
        %lt3A_497 = vector.broadcast %lt3A_496 : i32 to vector<16xi32>
        %lt3A_498 = arith.cmpi ult, %bitcast3A_495, %lt3A_497 : vector<16xi32>
        %min3A_499 = arith.constant 50047 : i32
        %min3A_500 = vector.broadcast %min3A_499 : i32 to vector<16xi32>
        %min3A_501 = arith.minui %bitcast3A_495, %min3A_500 : vector<16xi32>
        %bitcast3A_502 = vector.bitcast %min3A_501 : vector<16xi32> to vector<16xi32>
        %gather3A_503 = tpu.vector_load_idx %arg5[%bitcast3A_502] : memref<50048xf32, #tpu.memory_space<vmem>>[vector<16xi32>], vector<16xf32>,
        %swap3A_504 = arith.index_cast %mul3A_492 : i32 to index
        %swap3A_505 = tpu.vector_load %arg9[%swap3A_504] {strides = array<i32>} : memref<4096xf32, #tpu.memory_space<vmem>>, vector<16xf32>,
        tpu.vector_store %arg9[%swap3A_504], %gather3A_503 {strides = array<i32>} : memref<4096xf32, #tpu.memory_space<vmem>>, vector<16xf32>,
        %scan3A_506 = arith.constant 4 : i32
        %scan3A_507 = arith.addi %scan3A_443, %scan3A_506 : i32
        %mul3A_508 = arith.constant 16 : i32
        %mul3A_509 = arith.muli %scan3A_507, %mul3A_508 : i32
        %get3A_510 = arith.index_cast %mul3A_509 : i32 to index
        %get3A_511 = tpu.vector_load %arg7[%get3A_510] {strides = array<i32>} : memref<4096xi32, #tpu.memory_space<vmem>>, vector<16xi32>,
        %bitcast3A_512 = vector.bitcast %get3A_511 : vector<16xi32> to vector<16xi32>
        %lt3A_513 = arith.constant 50048 : i32
        %lt3A_514 = vector.broadcast %lt3A_513 : i32 to vector<16xi32>
        %lt3A_515 = arith.cmpi ult, %bitcast3A_512, %lt3A_514 : vector<16xi32>
        %min3A_516 = arith.constant 50047 : i32
        %min3A_517 = vector.broadcast %min3A_516 : i32 to vector<16xi32>
        %min3A_518 = arith.minui %bitcast3A_512, %min3A_517 : vector<16xi32>
        %bitcast3A_519 = vector.bitcast %min3A_518 : vector<16xi32> to vector<16xi32>
        %gather3A_520 = tpu.vector_load_idx %arg5[%bitcast3A_519] : memref<50048xf32, #tpu.memory_space<vmem>>[vector<16xi32>], vector<16xf32>,
        %swap3A_521 = arith.index_cast %mul3A_509 : i32 to index
        %swap3A_522 = tpu.vector_load %arg9[%swap3A_521] {strides = array<i32>} : memref<4096xf32, #tpu.memory_space<vmem>>, vector<16xf32>,
        tpu.vector_store %arg9[%swap3A_521], %gather3A_520 {strides = array<i32>} : memref<4096xf32, #tpu.memory_space<vmem>>, vector<16xf32>,
        %scan3A_523 = arith.constant 5 : i32
        %scan3A_524 = arith.addi %scan3A_443, %scan3A_523 : i32
        %mul3A_525 = arith.constant 16 : i32
        %mul3A_526 = arith.muli %scan3A_524, %mul3A_525 : i32
        %get3A_527 = arith.index_cast %mul3A_526 : i32 to index
        %get3A_528 = tpu.vector_load %arg7[%get3A_527] {strides = array<i32>} : memref<4096xi32, #tpu.memory_space<vmem>>, vector<16xi32>,
        %bitcast3A_529 = vector.bitcast %get3A_528 : vector<16xi32> to vector<16xi32>
        %lt3A_530 = arith.constant 50048 : i32
        %lt3A_531 = vector.broadcast %lt3A_530 : i32 to vector<16xi32>
        %lt3A_532 = arith.cmpi ult, %bitcast3A_529, %lt3A_531 : vector<16xi32>
        %min3A_533 = arith.constant 50047 : i32
        %min3A_534 = vector.broadcast %min3A_533 : i32 to vector<16xi32>
        %min3A_535 = arith.minui %bitcast3A_529, %min3A_534 : vector<16xi32>
        %bitcast3A_536 = vector.bitcast %min3A_535 : vector<16xi32> to vector<16xi32>
        %gather3A_537 = tpu.vector_load_idx %arg5[%bitcast3A_536] : memref<50048xf32, #tpu.memory_space<vmem>>[vector<16xi32>], vector<16xf32>,
        %swap3A_538 = arith.index_cast %mul3A_526 : i32 to index
        %swap3A_539 = tpu.vector_load %arg9[%swap3A_538] {strides = array<i32>} : memref<4096xf32, #tpu.memory_space<vmem>>, vector<16xf32>,
        tpu.vector_store %arg9[%swap3A_538], %gather3A_537 {strides = array<i32>} : memref<4096xf32, #tpu.memory_space<vmem>>, vector<16xf32>,
        %scan3A_540 = arith.constant 6 : i32
        %scan3A_541 = arith.addi %scan3A_443, %scan3A_540 : i32
        %mul3A_542 = arith.constant 16 : i32
        %mul3A_543 = arith.muli %scan3A_541, %mul3A_542 : i32
        %get3A_544 = arith.index_cast %mul3A_543 : i32 to index
        %get3A_545 = tpu.vector_load %arg7[%get3A_544] {strides = array<i32>} : memref<4096xi32, #tpu.memory_space<vmem>>, vector<16xi32>,
        %bitcast3A_546 = vector.bitcast %get3A_545 : vector<16xi32> to vector<16xi32>
        %lt3A_547 = arith.constant 50048 : i32
        %lt3A_548 = vector.broadcast %lt3A_547 : i32 to vector<16xi32>
        %lt3A_549 = arith.cmpi ult, %bitcast3A_546, %lt3A_548 : vector<16xi32>
        %min3A_550 = arith.constant 50047 : i32
        %min3A_551 = vector.broadcast %min3A_550 : i32 to vector<16xi32>
        %min3A_552 = arith.minui %bitcast3A_546, %min3A_551 : vector<16xi32>
        %bitcast3A_553 = vector.bitcast %min3A_552 : vector<16xi32> to vector<16xi32>
        %gather3A_554 = tpu.vector_load_idx %arg5[%bitcast3A_553] : memref<50048xf32, #tpu.memory_space<vmem>>[vector<16xi32>], vector<16xf32>,
        %swap3A_555 = arith.index_cast %mul3A_543 : i32 to index
        %swap3A_556 = tpu.vector_load %arg9[%swap3A_555] {strides = array<i32>} : memref<4096xf32, #tpu.memory_space<vmem>>, vector<16xf32>,
        tpu.vector_store %arg9[%swap3A_555], %gather3A_554 {strides = array<i32>} : memref<4096xf32, #tpu.memory_space<vmem>>, vector<16xf32>,
        %scan3A_557 = arith.constant 7 : i32
        %scan3A_558 = arith.addi %scan3A_443, %scan3A_557 : i32
        %mul3A_559 = arith.constant 16 : i32
        %mul3A_560 = arith.muli %scan3A_558, %mul3A_559 : i32
        %get3A_561 = arith.index_cast %mul3A_560 : i32 to index
        %get3A_562 = tpu.vector_load %arg7[%get3A_561] {strides = array<i32>} : memref<4096xi32, #tpu.memory_space<vmem>>, vector<16xi32>,
        %bitcast3A_563 = vector.bitcast %get3A_562 : vector<16xi32> to vector<16xi32>
        %lt3A_564 = arith.constant 50048 : i32
        %lt3A_565 = vector.broadcast %lt3A_564 : i32 to vector<16xi32>
        %lt3A_566 = arith.cmpi ult, %bitcast3A_563, %lt3A_565 : vector<16xi32>
        %min3A_567 = arith.constant 50047 : i32
        %min3A_568 = vector.broadcast %min3A_567 : i32 to vector<16xi32>
        %min3A_569 = arith.minui %bitcast3A_563, %min3A_568 : vector<16xi32>
        %bitcast3A_570 = vector.bitcast %min3A_569 : vector<16xi32> to vector<16xi32>
        %gather3A_571 = tpu.vector_load_idx %arg5[%bitcast3A_570] : memref<50048xf32, #tpu.memory_space<vmem>>[vector<16xi32>], vector<16xf32>,
        %swap3A_572 = arith.index_cast %mul3A_560 : i32 to index
        %swap3A_573 = tpu.vector_load %arg9[%swap3A_572] {strides = array<i32>} : memref<4096xf32, #tpu.memory_space<vmem>>, vector<16xf32>,
        tpu.vector_store %arg9[%swap3A_572], %gather3A_571 {strides = array<i32>} : memref<4096xf32, #tpu.memory_space<vmem>>, vector<16xf32>,
        %scan3A_574 = arith.constant 8 : i32
        %scan3A_575 = arith.addi %scan3A_443, %scan3A_574 : i32
        %mul3A_576 = arith.constant 16 : i32
        %mul3A_577 = arith.muli %scan3A_575, %mul3A_576 : i32
        %get3A_578 = arith.index_cast %mul3A_577 : i32 to index
        %get3A_579 = tpu.vector_load %arg7[%get3A_578] {strides = array<i32>} : memref<4096xi32, #tpu.memory_space<vmem>>, vector<16xi32>,
        %bitcast3A_580 = vector.bitcast %get3A_579 : vector<16xi32> to vector<16xi32>
        %lt3A_581 = arith.constant 50048 : i32
        %lt3A_582 = vector.broadcast %lt3A_581 : i32 to vector<16xi32>
        %lt3A_583 = arith.cmpi ult, %bitcast3A_580, %lt3A_582 : vector<16xi32>
        %min3A_584 = arith.constant 50047 : i32
        %min3A_585 = vector.broadcast %min3A_584 : i32 to vector<16xi32>
        %min3A_586 = arith.minui %bitcast3A_580, %min3A_585 : vector<16xi32>
        %bitcast3A_587 = vector.bitcast %min3A_586 : vector<16xi32> to vector<16xi32>
        %gather3A_588 = tpu.vector_load_idx %arg5[%bitcast3A_587] : memref<50048xf32, #tpu.memory_space<vmem>>[vector<16xi32>], vector<16xf32>,
        %swap3A_589 = arith.index_cast %mul3A_577 : i32 to index
        %swap3A_590 = tpu.vector_load %arg9[%swap3A_589] {strides = array<i32>} : memref<4096xf32, #tpu.memory_space<vmem>>, vector<16xf32>,
        tpu.vector_store %arg9[%swap3A_589], %gather3A_588 {strides = array<i32>} : memref<4096xf32, #tpu.memory_space<vmem>>, vector<16xf32>,
        %scan3A_591 = arith.constant 9 : i32
        %scan3A_592 = arith.addi %scan3A_443, %scan3A_591 : i32
        %mul3A_593 = arith.constant 16 : i32
        %mul3A_594 = arith.muli %scan3A_592, %mul3A_593 : i32
        %get3A_595 = arith.index_cast %mul3A_594 : i32 to index
        %get3A_596 = tpu.vector_load %arg7[%get3A_595] {strides = array<i32>} : memref<4096xi32, #tpu.memory_space<vmem>>, vector<16xi32>,
        %bitcast3A_597 = vector.bitcast %get3A_596 : vector<16xi32> to vector<16xi32>
        %lt3A_598 = arith.constant 50048 : i32
        %lt3A_599 = vector.broadcast %lt3A_598 : i32 to vector<16xi32>
        %lt3A_600 = arith.cmpi ult, %bitcast3A_597, %lt3A_599 : vector<16xi32>
        %min3A_601 = arith.constant 50047 : i32
        %min3A_602 = vector.broadcast %min3A_601 : i32 to vector<16xi32>
        %min3A_603 = arith.minui %bitcast3A_597, %min3A_602 : vector<16xi32>
        %bitcast3A_604 = vector.bitcast %min3A_603 : vector<16xi32> to vector<16xi32>
        %gather3A_605 = tpu.vector_load_idx %arg5[%bitcast3A_604] : memref<50048xf32, #tpu.memory_space<vmem>>[vector<16xi32>], vector<16xf32>,
        %swap3A_606 = arith.index_cast %mul3A_594 : i32 to index
        %swap3A_607 = tpu.vector_load %arg9[%swap3A_606] {strides = array<i32>} : memref<4096xf32, #tpu.memory_space<vmem>>, vector<16xf32>,
        tpu.vector_store %arg9[%swap3A_606], %gather3A_605 {strides = array<i32>} : memref<4096xf32, #tpu.memory_space<vmem>>, vector<16xf32>,
        %scan3A_608 = arith.constant 10 : i32
        %scan3A_609 = arith.addi %scan3A_443, %scan3A_608 : i32
        %mul3A_610 = arith.constant 16 : i32
        %mul3A_611 = arith.muli %scan3A_609, %mul3A_610 : i32
        %get3A_612 = arith.index_cast %mul3A_611 : i32 to index
        %get3A_613 = tpu.vector_load %arg7[%get3A_612] {strides = array<i32>} : memref<4096xi32, #tpu.memory_space<vmem>>, vector<16xi32>,
        %bitcast3A_614 = vector.bitcast %get3A_613 : vector<16xi32> to vector<16xi32>
        %lt3A_615 = arith.constant 50048 : i32
        %lt3A_616 = vector.broadcast %lt3A_615 : i32 to vector<16xi32>
        %lt3A_617 = arith.cmpi ult, %bitcast3A_614, %lt3A_616 : vector<16xi32>
        %min3A_618 = arith.constant 50047 : i32
        %min3A_619 = vector.broadcast %min3A_618 : i32 to vector<16xi32>
        %min3A_620 = arith.minui %bitcast3A_614, %min3A_619 : vector<16xi32>
        %bitcast3A_621 = vector.bitcast %min3A_620 : vector<16xi32> to vector<16xi32>
        %gather3A_622 = tpu.vector_load_idx %arg5[%bitcast3A_621] : memref<50048xf32, #tpu.memory_space<vmem>>[vector<16xi32>], vector<16xf32>,
        %swap3A_623 = arith.index_cast %mul3A_611 : i32 to index
        %swap3A_624 = tpu.vector_load %arg9[%swap3A_623] {strides = array<i32>} : memref<4096xf32, #tpu.memory_space<vmem>>, vector<16xf32>,
        tpu.vector_store %arg9[%swap3A_623], %gather3A_622 {strides = array<i32>} : memref<4096xf32, #tpu.memory_space<vmem>>, vector<16xf32>,
        %scan3A_625 = arith.constant 11 : i32
        %scan3A_626 = arith.addi %scan3A_443, %scan3A_625 : i32
        %mul3A_627 = arith.constant 16 : i32
        %mul3A_628 = arith.muli %scan3A_626, %mul3A_627 : i32
        %get3A_629 = arith.index_cast %mul3A_628 : i32 to index
        %get3A_630 = tpu.vector_load %arg7[%get3A_629] {strides = array<i32>} : memref<4096xi32, #tpu.memory_space<vmem>>, vector<16xi32>,
        %bitcast3A_631 = vector.bitcast %get3A_630 : vector<16xi32> to vector<16xi32>
        %lt3A_632 = arith.constant 50048 : i32
        %lt3A_633 = vector.broadcast %lt3A_632 : i32 to vector<16xi32>
        %lt3A_634 = arith.cmpi ult, %bitcast3A_631, %lt3A_633 : vector<16xi32>
        %min3A_635 = arith.constant 50047 : i32
        %min3A_636 = vector.broadcast %min3A_635 : i32 to vector<16xi32>
        %min3A_637 = arith.minui %bitcast3A_631, %min3A_636 : vector<16xi32>
        %bitcast3A_638 = vector.bitcast %min3A_637 : vector<16xi32> to vector<16xi32>
        %gather3A_639 = tpu.vector_load_idx %arg5[%bitcast3A_638] : memref<50048xf32, #tpu.memory_space<vmem>>[vector<16xi32>], vector<16xf32>,
        %swap3A_640 = arith.index_cast %mul3A_628 : i32 to index
        %swap3A_641 = tpu.vector_load %arg9[%swap3A_640] {strides = array<i32>} : memref<4096xf32, #tpu.memory_space<vmem>>, vector<16xf32>,
        tpu.vector_store %arg9[%swap3A_640], %gather3A_639 {strides = array<i32>} : memref<4096xf32, #tpu.memory_space<vmem>>, vector<16xf32>,
        %scan3A_642 = arith.constant 12 : i32
        %scan3A_643 = arith.addi %scan3A_443, %scan3A_642 : i32
        %mul3A_644 = arith.constant 16 : i32
        %mul3A_645 = arith.muli %scan3A_643, %mul3A_644 : i32
        %get3A_646 = arith.index_cast %mul3A_645 : i32 to index
        %get3A_647 = tpu.vector_load %arg7[%get3A_646] {strides = array<i32>} : memref<4096xi32, #tpu.memory_space<vmem>>, vector<16xi32>,
        %bitcast3A_648 = vector.bitcast %get3A_647 : vector<16xi32> to vector<16xi32>
        %lt3A_649 = arith.constant 50048 : i32
        %lt3A_650 = vector.broadcast %lt3A_649 : i32 to vector<16xi32>
        %lt3A_651 = arith.cmpi ult, %bitcast3A_648, %lt3A_650 : vector<16xi32>
        %min3A_652 = arith.constant 50047 : i32
        %min3A_653 = vector.broadcast %min3A_652 : i32 to vector<16xi32>
        %min3A_654 = arith.minui %bitcast3A_648, %min3A_653 : vector<16xi32>
        %bitcast3A_655 = vector.bitcast %min3A_654 : vector<16xi32> to vector<16xi32>
        %gather3A_656 = tpu.vector_load_idx %arg5[%bitcast3A_655] : memref<50048xf32, #tpu.memory_space<vmem>>[vector<16xi32>], vector<16xf32>,
        %swap3A_657 = arith.index_cast %mul3A_645 : i32 to index
        %swap3A_658 = tpu.vector_load %arg9[%swap3A_657] {strides = array<i32>} : memref<4096xf32, #tpu.memory_space<vmem>>, vector<16xf32>,
        tpu.vector_store %arg9[%swap3A_657], %gather3A_656 {strides = array<i32>} : memref<4096xf32, #tpu.memory_space<vmem>>, vector<16xf32>,
        %scan3A_659 = arith.constant 13 : i32
        %scan3A_660 = arith.addi %scan3A_443, %scan3A_659 : i32
        %mul3A_661 = arith.constant 16 : i32
        %mul3A_662 = arith.muli %scan3A_660, %mul3A_661 : i32
        %get3A_663 = arith.index_cast %mul3A_662 : i32 to index
        %get3A_664 = tpu.vector_load %arg7[%get3A_663] {strides = array<i32>} : memref<4096xi32, #tpu.memory_space<vmem>>, vector<16xi32>,
        %bitcast3A_665 = vector.bitcast %get3A_664 : vector<16xi32> to vector<16xi32>
        %lt3A_666 = arith.constant 50048 : i32
        %lt3A_667 = vector.broadcast %lt3A_666 : i32 to vector<16xi32>
        %lt3A_668 = arith.cmpi ult, %bitcast3A_665, %lt3A_667 : vector<16xi32>
        %min3A_669 = arith.constant 50047 : i32
        %min3A_670 = vector.broadcast %min3A_669 : i32 to vector<16xi32>
        %min3A_671 = arith.minui %bitcast3A_665, %min3A_670 : vector<16xi32>
        %bitcast3A_672 = vector.bitcast %min3A_671 : vector<16xi32> to vector<16xi32>
        %gather3A_673 = tpu.vector_load_idx %arg5[%bitcast3A_672] : memref<50048xf32, #tpu.memory_space<vmem>>[vector<16xi32>], vector<16xf32>,
        %swap3A_674 = arith.index_cast %mul3A_662 : i32 to index
        %swap3A_675 = tpu.vector_load %arg9[%swap3A_674] {strides = array<i32>} : memref<4096xf32, #tpu.memory_space<vmem>>, vector<16xf32>,
        tpu.vector_store %arg9[%swap3A_674], %gather3A_673 {strides = array<i32>} : memref<4096xf32, #tpu.memory_space<vmem>>, vector<16xf32>,
        %scan3A_676 = arith.constant 14 : i32
        %scan3A_677 = arith.addi %scan3A_443, %scan3A_676 : i32
        %mul3A_678 = arith.constant 16 : i32
        %mul3A_679 = arith.muli %scan3A_677, %mul3A_678 : i32
        %get3A_680 = arith.index_cast %mul3A_679 : i32 to index
        %get3A_681 = tpu.vector_load %arg7[%get3A_680] {strides = array<i32>} : memref<4096xi32, #tpu.memory_space<vmem>>, vector<16xi32>,
        %bitcast3A_682 = vector.bitcast %get3A_681 : vector<16xi32> to vector<16xi32>
        %lt3A_683 = arith.constant 50048 : i32
        %lt3A_684 = vector.broadcast %lt3A_683 : i32 to vector<16xi32>
        %lt3A_685 = arith.cmpi ult, %bitcast3A_682, %lt3A_684 : vector<16xi32>
        %min3A_686 = arith.constant 50047 : i32
        %min3A_687 = vector.broadcast %min3A_686 : i32 to vector<16xi32>
        %min3A_688 = arith.minui %bitcast3A_682, %min3A_687 : vector<16xi32>
        %bitcast3A_689 = vector.bitcast %min3A_688 : vector<16xi32> to vector<16xi32>
        %gather3A_690 = tpu.vector_load_idx %arg5[%bitcast3A_689] : memref<50048xf32, #tpu.memory_space<vmem>>[vector<16xi32>], vector<16xf32>,
        %swap3A_691 = arith.index_cast %mul3A_679 : i32 to index
        %swap3A_692 = tpu.vector_load %arg9[%swap3A_691] {strides = array<i32>} : memref<4096xf32, #tpu.memory_space<vmem>>, vector<16xf32>,
        tpu.vector_store %arg9[%swap3A_691], %gather3A_690 {strides = array<i32>} : memref<4096xf32, #tpu.memory_space<vmem>>, vector<16xf32>,
        %scan3A_693 = arith.constant 15 : i32
        %scan3A_694 = arith.addi %scan3A_443, %scan3A_693 : i32
        %mul3A_695 = arith.constant 16 : i32
        %mul3A_696 = arith.muli %scan3A_694, %mul3A_695 : i32
        %get3A_697 = arith.index_cast %mul3A_696 : i32 to index
        %get3A_698 = tpu.vector_load %arg7[%get3A_697] {strides = array<i32>} : memref<4096xi32, #tpu.memory_space<vmem>>, vector<16xi32>,
        %bitcast3A_699 = vector.bitcast %get3A_698 : vector<16xi32> to vector<16xi32>
        %lt3A_700 = arith.constant 50048 : i32
        %lt3A_701 = vector.broadcast %lt3A_700 : i32 to vector<16xi32>
        %lt3A_702 = arith.cmpi ult, %bitcast3A_699, %lt3A_701 : vector<16xi32>
        %min3A_703 = arith.constant 50047 : i32
        %min3A_704 = vector.broadcast %min3A_703 : i32 to vector<16xi32>
        %min3A_705 = arith.minui %bitcast3A_699, %min3A_704 : vector<16xi32>
        %bitcast3A_706 = vector.bitcast %min3A_705 : vector<16xi32> to vector<16xi32>
        %gather3A_707 = tpu.vector_load_idx %arg5[%bitcast3A_706] : memref<50048xf32, #tpu.memory_space<vmem>>[vector<16xi32>], vector<16xf32>,
        %swap3A_708 = arith.index_cast %mul3A_696 : i32 to index
        %swap3A_709 = tpu.vector_load %arg9[%swap3A_708] {strides = array<i32>} : memref<4096xf32, #tpu.memory_space<vmem>>, vector<16xf32>,
        tpu.vector_store %arg9[%swap3A_708], %gather3A_707 {strides = array<i32>} : memref<4096xf32, #tpu.memory_space<vmem>>, vector<16xf32>,
      }
      %scan3A_326 = arith.constant 256 : i32
      %add3A_327 = arith.constant 1 : i32
      %add3A_328 = arith.addi %add3A_284, %add3A_327 : i32
      %min3A_329 = arith.constant 831 : i32
      %min3A_330 = arith.minsi %add3A_328, %min3A_329 : i32
      %jit3A_331 = arith.constant 32 : i32
      %div3A_332 = arith.divsi %min3A_330, %jit3A_331 : i32
      %sign3A_333 = arith.constant 0 : i32
      %sign3A_334 = arith.cmpi sgt, %min3A_330, %sign3A_333 : i32
      %sign3A_335 = arith.extui %sign3A_334 : i1 to i32
      %sign3A_336 = arith.constant 0 : i32
      %sign3A_337 = arith.cmpi slt, %min3A_330, %sign3A_336 : i32
      %sign3A_338 = arith.extui %sign3A_337 : i1 to i32
      %sign3A_339 = arith.subi %sign3A_335, %sign3A_338 : i32
      %sign3A_340 = arith.constant 0 : i32
      %sign3A_341 = arith.cmpi sgt, %jit3A_331, %sign3A_340 : i32
      %sign3A_342 = arith.extui %sign3A_341 : i1 to i32
      %sign3A_343 = arith.constant 0 : i32
      %sign3A_344 = arith.cmpi slt, %jit3A_331, %sign3A_343 : i32
      %sign3A_345 = arith.extui %sign3A_344 : i1 to i32
      %sign3A_346 = arith.subi %sign3A_342, %sign3A_345 : i32
      %ne3A_347 = arith.cmpi ne, %sign3A_339, %sign3A_346 : i32
      %rem3A_348 = arith.remsi %min3A_330, %jit3A_331 : i32
      %ne3A_349 = arith.constant 0 : i32
      %ne3A_350 = arith.cmpi ne, %rem3A_348, %ne3A_349 : i32
      %and3A_351 = arith.andi %ne3A_347, %ne3A_350 : i1
      %sub3A_352 = arith.constant 1 : i32
      %sub3A_353 = arith.subi %div3A_332, %sub3A_352 : i32
      %select_n3A_354 = arith.select %and3A_351, %sub3A_353, %div3A_332 : i32
      %jit3A_355 = arith.constant 32 : i32
      %eq3A_356 = arith.constant 0 : i32
      %eq3A_357 = arith.cmpi eq, %jit3A_355, %eq3A_356 : i32
      %jit3A_358 = arith.constant 1 : i32
      %select_n3A_359 = arith.select %eq3A_357, %jit3A_358, %jit3A_355 : i32
      %rem3A_360 = arith.remsi %min3A_330, %select_n3A_359 : i32
      %ne3A_361 = arith.constant 0 : i32
      %ne3A_362 = arith.cmpi ne, %rem3A_360, %ne3A_361 : i32
      %lt3A_363 = arith.constant 0 : i32
      %lt3A_364 = arith.cmpi slt, %rem3A_360, %lt3A_363 : i32
      %lt3A_365 = arith.constant 0 : i32
      %lt3A_366 = arith.cmpi slt, %select_n3A_359, %lt3A_365 : i32
      %ne3A_367 = arith.xori %lt3A_364, %lt3A_366 : i1
      %and3A_368 = arith.andi %ne3A_367, %ne3A_362 : i1
      %add3A_369 = arith.addi %rem3A_360, %select_n3A_359 : i32
      %select_n3A_370 = arith.select %and3A_368, %add3A_369, %rem3A_360 : i32
      %dma_start3A_371 = arith.constant 0 : i32
      %dma_start3A_372 = tpu.memref_slice %arg2[%select_n3A_354, %select_n3A_370, %dma_start3A_371] : memref<26x32x100000xf32, #tpu.memory_space<hbm>> -> memref<1x1x50048xf32, #tpu.memory_space<hbm>>
      %dma_start3A_373 = tpu.memref_squeeze %dma_start3A_372 : memref<1x1x50048xf32, #tpu.memory_space<hbm>> -> memref<50048xf32, #tpu.memory_space<hbm>>
      %dma_start3A_374 = arith.constant 0 : i32
      %dma_start3A_375 = tpu.memref_slice %arg2[%select_n3A_354, %select_n3A_370, %dma_start3A_374] : memref<26x32x100000xf32, #tpu.memory_space<hbm>> -> memref<1x1x50048xf32, #tpu.memory_space<hbm>>
      %dma_start3A_376 = tpu.memref_squeeze %dma_start3A_375 : memref<1x1x50048xf32, #tpu.memory_space<hbm>> -> memref<50048xf32, #tpu.memory_space<hbm>>
      tpu.enqueue_dma source(%dma_start3A_376 : memref<50048xf32, #tpu.memory_space<hbm>>) target(%arg5 : memref<50048xf32, #tpu.memory_space<vmem>>) target_semaphore(%arg10 : memref<!tpu.dma_semaphore, #tpu.memory_space<semaphore_mem>>)
      %dma_wait3A_377 = arith.constant 0 : i32
      %dma_wait3A_378 = arith.constant 0 : i32
      %dma_wait3A_379 = arith.constant 50048 : i32
      %dma_wait3A_380 = tpu.memref_slice %arg2[%dma_wait3A_377, %dma_wait3A_378, %dma_wait3A_379] : memref<26x32x100000xf32, #tpu.memory_space<hbm>> -> memref<1x1x49952xf32, #tpu.memory_space<hbm>>
      %dma_wait3A_381 = tpu.memref_squeeze %dma_wait3A_380 : memref<1x1x49952xf32, #tpu.memory_space<hbm>> -> memref<49952xf32, #tpu.memory_space<hbm>>
      %dma_wait3A_382 = arith.constant 50048 : i32
      %dma_wait3A_383 = tpu.memref_slice %arg2[%dma_wait3A_377, %dma_wait3A_378, %dma_wait3A_382] : memref<26x32x100000xf32, #tpu.memory_space<hbm>> -> memref<1x1x49952xf32, #tpu.memory_space<hbm>>
      %dma_wait3A_384 = tpu.memref_squeeze %dma_wait3A_383 : memref<1x1x49952xf32, #tpu.memory_space<hbm>> -> memref<49952xf32, #tpu.memory_space<hbm>>
      tpu.wait_dma2 semaphore(%arg11 : memref<!tpu.dma_semaphore, #tpu.memory_space<semaphore_mem>>) src(%dma_wait3A_384 : memref<49952xf32, #tpu.memory_space<hbm>>) dst(%arg6 : memref<49952xf32, #tpu.memory_space<vmem>>)
      %scan3A_385 = arith.constant 0 : i32
      %scan3A_386 = arith.constant 0 : i32
      %scan3A_387 = arith.constant 256 : i32
      %scan3A_388 = arith.addi %scan3A_386, %scan3A_387 : i32
      %scan3A_389 = arith.constant 16 : i32
      scf.for %scan3A_443 = %scan3A_386 to %scan3A_388 step %scan3A_389  : i32 {
        %mul3A_444 = arith.constant 16 : i32
        %mul3A_445 = arith.muli %scan3A_443, %mul3A_444 : i32
        %get3A = arith.index_cast %mul3A_445 : i32 to index
        %get3A_446 = tpu.vector_load %arg7[%get3A] {strides = array<i32>} : memref<4096xi32, #tpu.memory_space<vmem>>, vector<16xi32>,
        %sub3A_447 = arith.constant 50048 : i32
        %sub3A_448 = vector.broadcast %sub3A_447 : i32 to vector<16xi32>
        %sub3A_449 = arith.subi %get3A_446, %sub3A_448 : vector<16xi32>
        %bitcast3A = vector.bitcast %sub3A_449 : vector<16xi32> to vector<16xi32>
        %lt3A_450 = arith.constant 49952 : i32
        %lt3A_451 = vector.broadcast %lt3A_450 : i32 to vector<16xi32>
        %lt3A_452 = arith.cmpi ult, %bitcast3A, %lt3A_451 : vector<16xi32>
        %min3A_453 = arith.constant 49951 : i32
        %min3A_454 = vector.broadcast %min3A_453 : i32 to vector<16xi32>
        %min3A_455 = arith.minui %bitcast3A, %min3A_454 : vector<16xi32>
        %bitcast3A_456 = vector.bitcast %min3A_455 : vector<16xi32> to vector<16xi32>
        %gather3A = tpu.vector_load_idx %arg6[%bitcast3A_456] : memref<49952xf32, #tpu.memory_space<vmem>>[vector<16xi32>], vector<16xf32>,
        %get3A_457 = arith.index_cast %mul3A_445 : i32 to index
        %get3A_458 = tpu.vector_load %arg9[%get3A_457] {strides = array<i32>} : memref<4096xf32, #tpu.memory_space<vmem>>, vector<16xf32>,
        %select_n3A_459 = arith.select %lt3A_452, %gather3A, %get3A_458 : vector<16xi1>, vector<16xf32>
        %swap3A = arith.index_cast %mul3A_445 : i32 to index
        %swap3A_460 = tpu.vector_load %arg9[%swap3A] {strides = array<i32>} : memref<4096xf32, #tpu.memory_space<vmem>>, vector<16xf32>,
        tpu.vector_store %arg9[%swap3A], %select_n3A_459 {strides = array<i32>} : memref<4096xf32, #tpu.memory_space<vmem>>, vector<16xf32>,
        %scan3A_461 = arith.constant 1 : i32
        %scan3A_462 = arith.addi %scan3A_443, %scan3A_461 : i32
        %mul3A_463 = arith.constant 16 : i32
        %mul3A_464 = arith.muli %scan3A_462, %mul3A_463 : i32
        %get3A_465 = arith.index_cast %mul3A_464 : i32 to index
        %get3A_466 = tpu.vector_load %arg7[%get3A_465] {strides = array<i32>} : memref<4096xi32, #tpu.memory_space<vmem>>, vector<16xi32>,
        %sub3A_467 = arith.constant 50048 : i32
        %sub3A_468 = vector.broadcast %sub3A_467 : i32 to vector<16xi32>
        %sub3A_469 = arith.subi %get3A_466, %sub3A_468 : vector<16xi32>
        %bitcast3A_470 = vector.bitcast %sub3A_469 : vector<16xi32> to vector<16xi32>
        %lt3A_471 = arith.constant 49952 : i32
        %lt3A_472 = vector.broadcast %lt3A_471 : i32 to vector<16xi32>
        %lt3A_473 = arith.cmpi ult, %bitcast3A_470, %lt3A_472 : vector<16xi32>
        %min3A_474 = arith.constant 49951 : i32
        %min3A_475 = vector.broadcast %min3A_474 : i32 to vector<16xi32>
        %min3A_476 = arith.minui %bitcast3A_470, %min3A_475 : vector<16xi32>
        %bitcast3A_477 = vector.bitcast %min3A_476 : vector<16xi32> to vector<16xi32>
        %gather3A_478 = tpu.vector_load_idx %arg6[%bitcast3A_477] : memref<49952xf32, #tpu.memory_space<vmem>>[vector<16xi32>], vector<16xf32>,
        %get3A_479 = arith.index_cast %mul3A_464 : i32 to index
        %get3A_480 = tpu.vector_load %arg9[%get3A_479] {strides = array<i32>} : memref<4096xf32, #tpu.memory_space<vmem>>, vector<16xf32>,
        %select_n3A_481 = arith.select %lt3A_473, %gather3A_478, %get3A_480 : vector<16xi1>, vector<16xf32>
        %swap3A_482 = arith.index_cast %mul3A_464 : i32 to index
        %swap3A_483 = tpu.vector_load %arg9[%swap3A_482] {strides = array<i32>} : memref<4096xf32, #tpu.memory_space<vmem>>, vector<16xf32>,
        tpu.vector_store %arg9[%swap3A_482], %select_n3A_481 {strides = array<i32>} : memref<4096xf32, #tpu.memory_space<vmem>>, vector<16xf32>,
        %scan3A_484 = arith.constant 2 : i32
        %scan3A_485 = arith.addi %scan3A_443, %scan3A_484 : i32
        %mul3A_486 = arith.constant 16 : i32
        %mul3A_487 = arith.muli %scan3A_485, %mul3A_486 : i32
        %get3A_488 = arith.index_cast %mul3A_487 : i32 to index
        %get3A_489 = tpu.vector_load %arg7[%get3A_488] {strides = array<i32>} : memref<4096xi32, #tpu.memory_space<vmem>>, vector<16xi32>,
        %sub3A_490 = arith.constant 50048 : i32
        %sub3A_491 = vector.broadcast %sub3A_490 : i32 to vector<16xi32>
        %sub3A_492 = arith.subi %get3A_489, %sub3A_491 : vector<16xi32>
        %bitcast3A_493 = vector.bitcast %sub3A_492 : vector<16xi32> to vector<16xi32>
        %lt3A_494 = arith.constant 49952 : i32
        %lt3A_495 = vector.broadcast %lt3A_494 : i32 to vector<16xi32>
        %lt3A_496 = arith.cmpi ult, %bitcast3A_493, %lt3A_495 : vector<16xi32>
        %min3A_497 = arith.constant 49951 : i32
        %min3A_498 = vector.broadcast %min3A_497 : i32 to vector<16xi32>
        %min3A_499 = arith.minui %bitcast3A_493, %min3A_498 : vector<16xi32>
        %bitcast3A_500 = vector.bitcast %min3A_499 : vector<16xi32> to vector<16xi32>
        %gather3A_501 = tpu.vector_load_idx %arg6[%bitcast3A_500] : memref<49952xf32, #tpu.memory_space<vmem>>[vector<16xi32>], vector<16xf32>,
        %get3A_502 = arith.index_cast %mul3A_487 : i32 to index
        %get3A_503 = tpu.vector_load %arg9[%get3A_502] {strides = array<i32>} : memref<4096xf32, #tpu.memory_space<vmem>>, vector<16xf32>,
        %select_n3A_504 = arith.select %lt3A_496, %gather3A_501, %get3A_503 : vector<16xi1>, vector<16xf32>
        %swap3A_505 = arith.index_cast %mul3A_487 : i32 to index
        %swap3A_506 = tpu.vector_load %arg9[%swap3A_505] {strides = array<i32>} : memref<4096xf32, #tpu.memory_space<vmem>>, vector<16xf32>,
        tpu.vector_store %arg9[%swap3A_505], %select_n3A_504 {strides = array<i32>} : memref<4096xf32, #tpu.memory_space<vmem>>, vector<16xf32>,
        %scan3A_507 = arith.constant 3 : i32
        %scan3A_508 = arith.addi %scan3A_443, %scan3A_507 : i32
        %mul3A_509 = arith.constant 16 : i32
        %mul3A_510 = arith.muli %scan3A_508, %mul3A_509 : i32
        %get3A_511 = arith.index_cast %mul3A_510 : i32 to index
        %get3A_512 = tpu.vector_load %arg7[%get3A_511] {strides = array<i32>} : memref<4096xi32, #tpu.memory_space<vmem>>, vector<16xi32>,
        %sub3A_513 = arith.constant 50048 : i32
        %sub3A_514 = vector.broadcast %sub3A_513 : i32 to vector<16xi32>
        %sub3A_515 = arith.subi %get3A_512, %sub3A_514 : vector<16xi32>
        %bitcast3A_516 = vector.bitcast %sub3A_515 : vector<16xi32> to vector<16xi32>
        %lt3A_517 = arith.constant 49952 : i32
        %lt3A_518 = vector.broadcast %lt3A_517 : i32 to vector<16xi32>
        %lt3A_519 = arith.cmpi ult, %bitcast3A_516, %lt3A_518 : vector<16xi32>
        %min3A_520 = arith.constant 49951 : i32
        %min3A_521 = vector.broadcast %min3A_520 : i32 to vector<16xi32>
        %min3A_522 = arith.minui %bitcast3A_516, %min3A_521 : vector<16xi32>
        %bitcast3A_523 = vector.bitcast %min3A_522 : vector<16xi32> to vector<16xi32>
        %gather3A_524 = tpu.vector_load_idx %arg6[%bitcast3A_523] : memref<49952xf32, #tpu.memory_space<vmem>>[vector<16xi32>], vector<16xf32>,
        %get3A_525 = arith.index_cast %mul3A_510 : i32 to index
        %get3A_526 = tpu.vector_load %arg9[%get3A_525] {strides = array<i32>} : memref<4096xf32, #tpu.memory_space<vmem>>, vector<16xf32>,
        %select_n3A_527 = arith.select %lt3A_519, %gather3A_524, %get3A_526 : vector<16xi1>, vector<16xf32>
        %swap3A_528 = arith.index_cast %mul3A_510 : i32 to index
        %swap3A_529 = tpu.vector_load %arg9[%swap3A_528] {strides = array<i32>} : memref<4096xf32, #tpu.memory_space<vmem>>, vector<16xf32>,
        tpu.vector_store %arg9[%swap3A_528], %select_n3A_527 {strides = array<i32>} : memref<4096xf32, #tpu.memory_space<vmem>>, vector<16xf32>,
        %scan3A_530 = arith.constant 4 : i32
        %scan3A_531 = arith.addi %scan3A_443, %scan3A_530 : i32
        %mul3A_532 = arith.constant 16 : i32
        %mul3A_533 = arith.muli %scan3A_531, %mul3A_532 : i32
        %get3A_534 = arith.index_cast %mul3A_533 : i32 to index
        %get3A_535 = tpu.vector_load %arg7[%get3A_534] {strides = array<i32>} : memref<4096xi32, #tpu.memory_space<vmem>>, vector<16xi32>,
        %sub3A_536 = arith.constant 50048 : i32
        %sub3A_537 = vector.broadcast %sub3A_536 : i32 to vector<16xi32>
        %sub3A_538 = arith.subi %get3A_535, %sub3A_537 : vector<16xi32>
        %bitcast3A_539 = vector.bitcast %sub3A_538 : vector<16xi32> to vector<16xi32>
        %lt3A_540 = arith.constant 49952 : i32
        %lt3A_541 = vector.broadcast %lt3A_540 : i32 to vector<16xi32>
        %lt3A_542 = arith.cmpi ult, %bitcast3A_539, %lt3A_541 : vector<16xi32>
        %min3A_543 = arith.constant 49951 : i32
        %min3A_544 = vector.broadcast %min3A_543 : i32 to vector<16xi32>
        %min3A_545 = arith.minui %bitcast3A_539, %min3A_544 : vector<16xi32>
        %bitcast3A_546 = vector.bitcast %min3A_545 : vector<16xi32> to vector<16xi32>
        %gather3A_547 = tpu.vector_load_idx %arg6[%bitcast3A_546] : memref<49952xf32, #tpu.memory_space<vmem>>[vector<16xi32>], vector<16xf32>,
        %get3A_548 = arith.index_cast %mul3A_533 : i32 to index
        %get3A_549 = tpu.vector_load %arg9[%get3A_548] {strides = array<i32>} : memref<4096xf32, #tpu.memory_space<vmem>>, vector<16xf32>,
        %select_n3A_550 = arith.select %lt3A_542, %gather3A_547, %get3A_549 : vector<16xi1>, vector<16xf32>
        %swap3A_551 = arith.index_cast %mul3A_533 : i32 to index
        %swap3A_552 = tpu.vector_load %arg9[%swap3A_551] {strides = array<i32>} : memref<4096xf32, #tpu.memory_space<vmem>>, vector<16xf32>,
        tpu.vector_store %arg9[%swap3A_551], %select_n3A_550 {strides = array<i32>} : memref<4096xf32, #tpu.memory_space<vmem>>, vector<16xf32>,
        %scan3A_553 = arith.constant 5 : i32
        %scan3A_554 = arith.addi %scan3A_443, %scan3A_553 : i32
        %mul3A_555 = arith.constant 16 : i32
        %mul3A_556 = arith.muli %scan3A_554, %mul3A_555 : i32
        %get3A_557 = arith.index_cast %mul3A_556 : i32 to index
        %get3A_558 = tpu.vector_load %arg7[%get3A_557] {strides = array<i32>} : memref<4096xi32, #tpu.memory_space<vmem>>, vector<16xi32>,
        %sub3A_559 = arith.constant 50048 : i32
        %sub3A_560 = vector.broadcast %sub3A_559 : i32 to vector<16xi32>
        %sub3A_561 = arith.subi %get3A_558, %sub3A_560 : vector<16xi32>
        %bitcast3A_562 = vector.bitcast %sub3A_561 : vector<16xi32> to vector<16xi32>
        %lt3A_563 = arith.constant 49952 : i32
        %lt3A_564 = vector.broadcast %lt3A_563 : i32 to vector<16xi32>
        %lt3A_565 = arith.cmpi ult, %bitcast3A_562, %lt3A_564 : vector<16xi32>
        %min3A_566 = arith.constant 49951 : i32
        %min3A_567 = vector.broadcast %min3A_566 : i32 to vector<16xi32>
        %min3A_568 = arith.minui %bitcast3A_562, %min3A_567 : vector<16xi32>
        %bitcast3A_569 = vector.bitcast %min3A_568 : vector<16xi32> to vector<16xi32>
        %gather3A_570 = tpu.vector_load_idx %arg6[%bitcast3A_569] : memref<49952xf32, #tpu.memory_space<vmem>>[vector<16xi32>], vector<16xf32>,
        %get3A_571 = arith.index_cast %mul3A_556 : i32 to index
        %get3A_572 = tpu.vector_load %arg9[%get3A_571] {strides = array<i32>} : memref<4096xf32, #tpu.memory_space<vmem>>, vector<16xf32>,
        %select_n3A_573 = arith.select %lt3A_565, %gather3A_570, %get3A_572 : vector<16xi1>, vector<16xf32>
        %swap3A_574 = arith.index_cast %mul3A_556 : i32 to index
        %swap3A_575 = tpu.vector_load %arg9[%swap3A_574] {strides = array<i32>} : memref<4096xf32, #tpu.memory_space<vmem>>, vector<16xf32>,
        tpu.vector_store %arg9[%swap3A_574], %select_n3A_573 {strides = array<i32>} : memref<4096xf32, #tpu.memory_space<vmem>>, vector<16xf32>,
        %scan3A_576 = arith.constant 6 : i32
        %scan3A_577 = arith.addi %scan3A_443, %scan3A_576 : i32
        %mul3A_578 = arith.constant 16 : i32
        %mul3A_579 = arith.muli %scan3A_577, %mul3A_578 : i32
        %get3A_580 = arith.index_cast %mul3A_579 : i32 to index
        %get3A_581 = tpu.vector_load %arg7[%get3A_580] {strides = array<i32>} : memref<4096xi32, #tpu.memory_space<vmem>>, vector<16xi32>,
        %sub3A_582 = arith.constant 50048 : i32
        %sub3A_583 = vector.broadcast %sub3A_582 : i32 to vector<16xi32>
        %sub3A_584 = arith.subi %get3A_581, %sub3A_583 : vector<16xi32>
        %bitcast3A_585 = vector.bitcast %sub3A_584 : vector<16xi32> to vector<16xi32>
        %lt3A_586 = arith.constant 49952 : i32
        %lt3A_587 = vector.broadcast %lt3A_586 : i32 to vector<16xi32>
        %lt3A_588 = arith.cmpi ult, %bitcast3A_585, %lt3A_587 : vector<16xi32>
        %min3A_589 = arith.constant 49951 : i32
        %min3A_590 = vector.broadcast %min3A_589 : i32 to vector<16xi32>
        %min3A_591 = arith.minui %bitcast3A_585, %min3A_590 : vector<16xi32>
        %bitcast3A_592 = vector.bitcast %min3A_591 : vector<16xi32> to vector<16xi32>
        %gather3A_593 = tpu.vector_load_idx %arg6[%bitcast3A_592] : memref<49952xf32, #tpu.memory_space<vmem>>[vector<16xi32>], vector<16xf32>,
        %get3A_594 = arith.index_cast %mul3A_579 : i32 to index
        %get3A_595 = tpu.vector_load %arg9[%get3A_594] {strides = array<i32>} : memref<4096xf32, #tpu.memory_space<vmem>>, vector<16xf32>,
        %select_n3A_596 = arith.select %lt3A_588, %gather3A_593, %get3A_595 : vector<16xi1>, vector<16xf32>
        %swap3A_597 = arith.index_cast %mul3A_579 : i32 to index
        %swap3A_598 = tpu.vector_load %arg9[%swap3A_597] {strides = array<i32>} : memref<4096xf32, #tpu.memory_space<vmem>>, vector<16xf32>,
        tpu.vector_store %arg9[%swap3A_597], %select_n3A_596 {strides = array<i32>} : memref<4096xf32, #tpu.memory_space<vmem>>, vector<16xf32>,
        %scan3A_599 = arith.constant 7 : i32
        %scan3A_600 = arith.addi %scan3A_443, %scan3A_599 : i32
        %mul3A_601 = arith.constant 16 : i32
        %mul3A_602 = arith.muli %scan3A_600, %mul3A_601 : i32
        %get3A_603 = arith.index_cast %mul3A_602 : i32 to index
        %get3A_604 = tpu.vector_load %arg7[%get3A_603] {strides = array<i32>} : memref<4096xi32, #tpu.memory_space<vmem>>, vector<16xi32>,
        %sub3A_605 = arith.constant 50048 : i32
        %sub3A_606 = vector.broadcast %sub3A_605 : i32 to vector<16xi32>
        %sub3A_607 = arith.subi %get3A_604, %sub3A_606 : vector<16xi32>
        %bitcast3A_608 = vector.bitcast %sub3A_607 : vector<16xi32> to vector<16xi32>
        %lt3A_609 = arith.constant 49952 : i32
        %lt3A_610 = vector.broadcast %lt3A_609 : i32 to vector<16xi32>
        %lt3A_611 = arith.cmpi ult, %bitcast3A_608, %lt3A_610 : vector<16xi32>
        %min3A_612 = arith.constant 49951 : i32
        %min3A_613 = vector.broadcast %min3A_612 : i32 to vector<16xi32>
        %min3A_614 = arith.minui %bitcast3A_608, %min3A_613 : vector<16xi32>
        %bitcast3A_615 = vector.bitcast %min3A_614 : vector<16xi32> to vector<16xi32>
        %gather3A_616 = tpu.vector_load_idx %arg6[%bitcast3A_615] : memref<49952xf32, #tpu.memory_space<vmem>>[vector<16xi32>], vector<16xf32>,
        %get3A_617 = arith.index_cast %mul3A_602 : i32 to index
        %get3A_618 = tpu.vector_load %arg9[%get3A_617] {strides = array<i32>} : memref<4096xf32, #tpu.memory_space<vmem>>, vector<16xf32>,
        %select_n3A_619 = arith.select %lt3A_611, %gather3A_616, %get3A_618 : vector<16xi1>, vector<16xf32>
        %swap3A_620 = arith.index_cast %mul3A_602 : i32 to index
        %swap3A_621 = tpu.vector_load %arg9[%swap3A_620] {strides = array<i32>} : memref<4096xf32, #tpu.memory_space<vmem>>, vector<16xf32>,
        tpu.vector_store %arg9[%swap3A_620], %select_n3A_619 {strides = array<i32>} : memref<4096xf32, #tpu.memory_space<vmem>>, vector<16xf32>,
        %scan3A_622 = arith.constant 8 : i32
        %scan3A_623 = arith.addi %scan3A_443, %scan3A_622 : i32
        %mul3A_624 = arith.constant 16 : i32
        %mul3A_625 = arith.muli %scan3A_623, %mul3A_624 : i32
        %get3A_626 = arith.index_cast %mul3A_625 : i32 to index
        %get3A_627 = tpu.vector_load %arg7[%get3A_626] {strides = array<i32>} : memref<4096xi32, #tpu.memory_space<vmem>>, vector<16xi32>,
        %sub3A_628 = arith.constant 50048 : i32
        %sub3A_629 = vector.broadcast %sub3A_628 : i32 to vector<16xi32>
        %sub3A_630 = arith.subi %get3A_627, %sub3A_629 : vector<16xi32>
        %bitcast3A_631 = vector.bitcast %sub3A_630 : vector<16xi32> to vector<16xi32>
        %lt3A_632 = arith.constant 49952 : i32
        %lt3A_633 = vector.broadcast %lt3A_632 : i32 to vector<16xi32>
        %lt3A_634 = arith.cmpi ult, %bitcast3A_631, %lt3A_633 : vector<16xi32>
        %min3A_635 = arith.constant 49951 : i32
        %min3A_636 = vector.broadcast %min3A_635 : i32 to vector<16xi32>
        %min3A_637 = arith.minui %bitcast3A_631, %min3A_636 : vector<16xi32>
        %bitcast3A_638 = vector.bitcast %min3A_637 : vector<16xi32> to vector<16xi32>
        %gather3A_639 = tpu.vector_load_idx %arg6[%bitcast3A_638] : memref<49952xf32, #tpu.memory_space<vmem>>[vector<16xi32>], vector<16xf32>,
        %get3A_640 = arith.index_cast %mul3A_625 : i32 to index
        %get3A_641 = tpu.vector_load %arg9[%get3A_640] {strides = array<i32>} : memref<4096xf32, #tpu.memory_space<vmem>>, vector<16xf32>,
        %select_n3A_642 = arith.select %lt3A_634, %gather3A_639, %get3A_641 : vector<16xi1>, vector<16xf32>
        %swap3A_643 = arith.index_cast %mul3A_625 : i32 to index
        %swap3A_644 = tpu.vector_load %arg9[%swap3A_643] {strides = array<i32>} : memref<4096xf32, #tpu.memory_space<vmem>>, vector<16xf32>,
        tpu.vector_store %arg9[%swap3A_643], %select_n3A_642 {strides = array<i32>} : memref<4096xf32, #tpu.memory_space<vmem>>, vector<16xf32>,
        %scan3A_645 = arith.constant 9 : i32
        %scan3A_646 = arith.addi %scan3A_443, %scan3A_645 : i32
        %mul3A_647 = arith.constant 16 : i32
        %mul3A_648 = arith.muli %scan3A_646, %mul3A_647 : i32
        %get3A_649 = arith.index_cast %mul3A_648 : i32 to index
        %get3A_650 = tpu.vector_load %arg7[%get3A_649] {strides = array<i32>} : memref<4096xi32, #tpu.memory_space<vmem>>, vector<16xi32>,
        %sub3A_651 = arith.constant 50048 : i32
        %sub3A_652 = vector.broadcast %sub3A_651 : i32 to vector<16xi32>
        %sub3A_653 = arith.subi %get3A_650, %sub3A_652 : vector<16xi32>
        %bitcast3A_654 = vector.bitcast %sub3A_653 : vector<16xi32> to vector<16xi32>
        %lt3A_655 = arith.constant 49952 : i32
        %lt3A_656 = vector.broadcast %lt3A_655 : i32 to vector<16xi32>
        %lt3A_657 = arith.cmpi ult, %bitcast3A_654, %lt3A_656 : vector<16xi32>
        %min3A_658 = arith.constant 49951 : i32
        %min3A_659 = vector.broadcast %min3A_658 : i32 to vector<16xi32>
        %min3A_660 = arith.minui %bitcast3A_654, %min3A_659 : vector<16xi32>
        %bitcast3A_661 = vector.bitcast %min3A_660 : vector<16xi32> to vector<16xi32>
        %gather3A_662 = tpu.vector_load_idx %arg6[%bitcast3A_661] : memref<49952xf32, #tpu.memory_space<vmem>>[vector<16xi32>], vector<16xf32>,
        %get3A_663 = arith.index_cast %mul3A_648 : i32 to index
        %get3A_664 = tpu.vector_load %arg9[%get3A_663] {strides = array<i32>} : memref<4096xf32, #tpu.memory_space<vmem>>, vector<16xf32>,
        %select_n3A_665 = arith.select %lt3A_657, %gather3A_662, %get3A_664 : vector<16xi1>, vector<16xf32>
        %swap3A_666 = arith.index_cast %mul3A_648 : i32 to index
        %swap3A_667 = tpu.vector_load %arg9[%swap3A_666] {strides = array<i32>} : memref<4096xf32, #tpu.memory_space<vmem>>, vector<16xf32>,
        tpu.vector_store %arg9[%swap3A_666], %select_n3A_665 {strides = array<i32>} : memref<4096xf32, #tpu.memory_space<vmem>>, vector<16xf32>,
        %scan3A_668 = arith.constant 10 : i32
        %scan3A_669 = arith.addi %scan3A_443, %scan3A_668 : i32
        %mul3A_670 = arith.constant 16 : i32
        %mul3A_671 = arith.muli %scan3A_669, %mul3A_670 : i32
        %get3A_672 = arith.index_cast %mul3A_671 : i32 to index
        %get3A_673 = tpu.vector_load %arg7[%get3A_672] {strides = array<i32>} : memref<4096xi32, #tpu.memory_space<vmem>>, vector<16xi32>,
        %sub3A_674 = arith.constant 50048 : i32
        %sub3A_675 = vector.broadcast %sub3A_674 : i32 to vector<16xi32>
        %sub3A_676 = arith.subi %get3A_673, %sub3A_675 : vector<16xi32>
        %bitcast3A_677 = vector.bitcast %sub3A_676 : vector<16xi32> to vector<16xi32>
        %lt3A_678 = arith.constant 49952 : i32
        %lt3A_679 = vector.broadcast %lt3A_678 : i32 to vector<16xi32>
        %lt3A_680 = arith.cmpi ult, %bitcast3A_677, %lt3A_679 : vector<16xi32>
        %min3A_681 = arith.constant 49951 : i32
        %min3A_682 = vector.broadcast %min3A_681 : i32 to vector<16xi32>
        %min3A_683 = arith.minui %bitcast3A_677, %min3A_682 : vector<16xi32>
        %bitcast3A_684 = vector.bitcast %min3A_683 : vector<16xi32> to vector<16xi32>
        %gather3A_685 = tpu.vector_load_idx %arg6[%bitcast3A_684] : memref<49952xf32, #tpu.memory_space<vmem>>[vector<16xi32>], vector<16xf32>,
        %get3A_686 = arith.index_cast %mul3A_671 : i32 to index
        %get3A_687 = tpu.vector_load %arg9[%get3A_686] {strides = array<i32>} : memref<4096xf32, #tpu.memory_space<vmem>>, vector<16xf32>,
        %select_n3A_688 = arith.select %lt3A_680, %gather3A_685, %get3A_687 : vector<16xi1>, vector<16xf32>
        %swap3A_689 = arith.index_cast %mul3A_671 : i32 to index
        %swap3A_690 = tpu.vector_load %arg9[%swap3A_689] {strides = array<i32>} : memref<4096xf32, #tpu.memory_space<vmem>>, vector<16xf32>,
        tpu.vector_store %arg9[%swap3A_689], %select_n3A_688 {strides = array<i32>} : memref<4096xf32, #tpu.memory_space<vmem>>, vector<16xf32>,
        %scan3A_691 = arith.constant 11 : i32
        %scan3A_692 = arith.addi %scan3A_443, %scan3A_691 : i32
        %mul3A_693 = arith.constant 16 : i32
        %mul3A_694 = arith.muli %scan3A_692, %mul3A_693 : i32
        %get3A_695 = arith.index_cast %mul3A_694 : i32 to index
        %get3A_696 = tpu.vector_load %arg7[%get3A_695] {strides = array<i32>} : memref<4096xi32, #tpu.memory_space<vmem>>, vector<16xi32>,
        %sub3A_697 = arith.constant 50048 : i32
        %sub3A_698 = vector.broadcast %sub3A_697 : i32 to vector<16xi32>
        %sub3A_699 = arith.subi %get3A_696, %sub3A_698 : vector<16xi32>
        %bitcast3A_700 = vector.bitcast %sub3A_699 : vector<16xi32> to vector<16xi32>
        %lt3A_701 = arith.constant 49952 : i32
        %lt3A_702 = vector.broadcast %lt3A_701 : i32 to vector<16xi32>
        %lt3A_703 = arith.cmpi ult, %bitcast3A_700, %lt3A_702 : vector<16xi32>
        %min3A_704 = arith.constant 49951 : i32
        %min3A_705 = vector.broadcast %min3A_704 : i32 to vector<16xi32>
        %min3A_706 = arith.minui %bitcast3A_700, %min3A_705 : vector<16xi32>
        %bitcast3A_707 = vector.bitcast %min3A_706 : vector<16xi32> to vector<16xi32>
        %gather3A_708 = tpu.vector_load_idx %arg6[%bitcast3A_707] : memref<49952xf32, #tpu.memory_space<vmem>>[vector<16xi32>], vector<16xf32>,
        %get3A_709 = arith.index_cast %mul3A_694 : i32 to index
        %get3A_710 = tpu.vector_load %arg9[%get3A_709] {strides = array<i32>} : memref<4096xf32, #tpu.memory_space<vmem>>, vector<16xf32>,
        %select_n3A_711 = arith.select %lt3A_703, %gather3A_708, %get3A_710 : vector<16xi1>, vector<16xf32>
        %swap3A_712 = arith.index_cast %mul3A_694 : i32 to index
        %swap3A_713 = tpu.vector_load %arg9[%swap3A_712] {strides = array<i32>} : memref<4096xf32, #tpu.memory_space<vmem>>, vector<16xf32>,
        tpu.vector_store %arg9[%swap3A_712], %select_n3A_711 {strides = array<i32>} : memref<4096xf32, #tpu.memory_space<vmem>>, vector<16xf32>,
        %scan3A_714 = arith.constant 12 : i32
        %scan3A_715 = arith.addi %scan3A_443, %scan3A_714 : i32
        %mul3A_716 = arith.constant 16 : i32
        %mul3A_717 = arith.muli %scan3A_715, %mul3A_716 : i32
        %get3A_718 = arith.index_cast %mul3A_717 : i32 to index
        %get3A_719 = tpu.vector_load %arg7[%get3A_718] {strides = array<i32>} : memref<4096xi32, #tpu.memory_space<vmem>>, vector<16xi32>,
        %sub3A_720 = arith.constant 50048 : i32
        %sub3A_721 = vector.broadcast %sub3A_720 : i32 to vector<16xi32>
        %sub3A_722 = arith.subi %get3A_719, %sub3A_721 : vector<16xi32>
        %bitcast3A_723 = vector.bitcast %sub3A_722 : vector<16xi32> to vector<16xi32>
        %lt3A_724 = arith.constant 49952 : i32
        %lt3A_725 = vector.broadcast %lt3A_724 : i32 to vector<16xi32>
        %lt3A_726 = arith.cmpi ult, %bitcast3A_723, %lt3A_725 : vector<16xi32>
        %min3A_727 = arith.constant 49951 : i32
        %min3A_728 = vector.broadcast %min3A_727 : i32 to vector<16xi32>
        %min3A_729 = arith.minui %bitcast3A_723, %min3A_728 : vector<16xi32>
        %bitcast3A_730 = vector.bitcast %min3A_729 : vector<16xi32> to vector<16xi32>
        %gather3A_731 = tpu.vector_load_idx %arg6[%bitcast3A_730] : memref<49952xf32, #tpu.memory_space<vmem>>[vector<16xi32>], vector<16xf32>,
        %get3A_732 = arith.index_cast %mul3A_717 : i32 to index
        %get3A_733 = tpu.vector_load %arg9[%get3A_732] {strides = array<i32>} : memref<4096xf32, #tpu.memory_space<vmem>>, vector<16xf32>,
        %select_n3A_734 = arith.select %lt3A_726, %gather3A_731, %get3A_733 : vector<16xi1>, vector<16xf32>
        %swap3A_735 = arith.index_cast %mul3A_717 : i32 to index
        %swap3A_736 = tpu.vector_load %arg9[%swap3A_735] {strides = array<i32>} : memref<4096xf32, #tpu.memory_space<vmem>>, vector<16xf32>,
        tpu.vector_store %arg9[%swap3A_735], %select_n3A_734 {strides = array<i32>} : memref<4096xf32, #tpu.memory_space<vmem>>, vector<16xf32>,
        %scan3A_737 = arith.constant 13 : i32
        %scan3A_738 = arith.addi %scan3A_443, %scan3A_737 : i32
        %mul3A_739 = arith.constant 16 : i32
        %mul3A_740 = arith.muli %scan3A_738, %mul3A_739 : i32
        %get3A_741 = arith.index_cast %mul3A_740 : i32 to index
        %get3A_742 = tpu.vector_load %arg7[%get3A_741] {strides = array<i32>} : memref<4096xi32, #tpu.memory_space<vmem>>, vector<16xi32>,
        %sub3A_743 = arith.constant 50048 : i32
        %sub3A_744 = vector.broadcast %sub3A_743 : i32 to vector<16xi32>
        %sub3A_745 = arith.subi %get3A_742, %sub3A_744 : vector<16xi32>
        %bitcast3A_746 = vector.bitcast %sub3A_745 : vector<16xi32> to vector<16xi32>
        %lt3A_747 = arith.constant 49952 : i32
        %lt3A_748 = vector.broadcast %lt3A_747 : i32 to vector<16xi32>
        %lt3A_749 = arith.cmpi ult, %bitcast3A_746, %lt3A_748 : vector<16xi32>
        %min3A_750 = arith.constant 49951 : i32
        %min3A_751 = vector.broadcast %min3A_750 : i32 to vector<16xi32>
        %min3A_752 = arith.minui %bitcast3A_746, %min3A_751 : vector<16xi32>
        %bitcast3A_753 = vector.bitcast %min3A_752 : vector<16xi32> to vector<16xi32>
        %gather3A_754 = tpu.vector_load_idx %arg6[%bitcast3A_753] : memref<49952xf32, #tpu.memory_space<vmem>>[vector<16xi32>], vector<16xf32>,
        %get3A_755 = arith.index_cast %mul3A_740 : i32 to index
        %get3A_756 = tpu.vector_load %arg9[%get3A_755] {strides = array<i32>} : memref<4096xf32, #tpu.memory_space<vmem>>, vector<16xf32>,
        %select_n3A_757 = arith.select %lt3A_749, %gather3A_754, %get3A_756 : vector<16xi1>, vector<16xf32>
        %swap3A_758 = arith.index_cast %mul3A_740 : i32 to index
        %swap3A_759 = tpu.vector_load %arg9[%swap3A_758] {strides = array<i32>} : memref<4096xf32, #tpu.memory_space<vmem>>, vector<16xf32>,
        tpu.vector_store %arg9[%swap3A_758], %select_n3A_757 {strides = array<i32>} : memref<4096xf32, #tpu.memory_space<vmem>>, vector<16xf32>,
        %scan3A_760 = arith.constant 14 : i32
        %scan3A_761 = arith.addi %scan3A_443, %scan3A_760 : i32
        %mul3A_762 = arith.constant 16 : i32
        %mul3A_763 = arith.muli %scan3A_761, %mul3A_762 : i32
        %get3A_764 = arith.index_cast %mul3A_763 : i32 to index
        %get3A_765 = tpu.vector_load %arg7[%get3A_764] {strides = array<i32>} : memref<4096xi32, #tpu.memory_space<vmem>>, vector<16xi32>,
        %sub3A_766 = arith.constant 50048 : i32
        %sub3A_767 = vector.broadcast %sub3A_766 : i32 to vector<16xi32>
        %sub3A_768 = arith.subi %get3A_765, %sub3A_767 : vector<16xi32>
        %bitcast3A_769 = vector.bitcast %sub3A_768 : vector<16xi32> to vector<16xi32>
        %lt3A_770 = arith.constant 49952 : i32
        %lt3A_771 = vector.broadcast %lt3A_770 : i32 to vector<16xi32>
        %lt3A_772 = arith.cmpi ult, %bitcast3A_769, %lt3A_771 : vector<16xi32>
        %min3A_773 = arith.constant 49951 : i32
        %min3A_774 = vector.broadcast %min3A_773 : i32 to vector<16xi32>
        %min3A_775 = arith.minui %bitcast3A_769, %min3A_774 : vector<16xi32>
        %bitcast3A_776 = vector.bitcast %min3A_775 : vector<16xi32> to vector<16xi32>
        %gather3A_777 = tpu.vector_load_idx %arg6[%bitcast3A_776] : memref<49952xf32, #tpu.memory_space<vmem>>[vector<16xi32>], vector<16xf32>,
        %get3A_778 = arith.index_cast %mul3A_763 : i32 to index
        %get3A_779 = tpu.vector_load %arg9[%get3A_778] {strides = array<i32>} : memref<4096xf32, #tpu.memory_space<vmem>>, vector<16xf32>,
        %select_n3A_780 = arith.select %lt3A_772, %gather3A_777, %get3A_779 : vector<16xi1>, vector<16xf32>
        %swap3A_781 = arith.index_cast %mul3A_763 : i32 to index
        %swap3A_782 = tpu.vector_load %arg9[%swap3A_781] {strides = array<i32>} : memref<4096xf32, #tpu.memory_space<vmem>>, vector<16xf32>,
        tpu.vector_store %arg9[%swap3A_781], %select_n3A_780 {strides = array<i32>} : memref<4096xf32, #tpu.memory_space<vmem>>, vector<16xf32>,
        %scan3A_783 = arith.constant 15 : i32
        %scan3A_784 = arith.addi %scan3A_443, %scan3A_783 : i32
        %mul3A_785 = arith.constant 16 : i32
        %mul3A_786 = arith.muli %scan3A_784, %mul3A_785 : i32
        %get3A_787 = arith.index_cast %mul3A_786 : i32 to index
        %get3A_788 = tpu.vector_load %arg7[%get3A_787] {strides = array<i32>} : memref<4096xi32, #tpu.memory_space<vmem>>, vector<16xi32>,
        %sub3A_789 = arith.constant 50048 : i32
        %sub3A_790 = vector.broadcast %sub3A_789 : i32 to vector<16xi32>
        %sub3A_791 = arith.subi %get3A_788, %sub3A_790 : vector<16xi32>
        %bitcast3A_792 = vector.bitcast %sub3A_791 : vector<16xi32> to vector<16xi32>
        %lt3A_793 = arith.constant 49952 : i32
        %lt3A_794 = vector.broadcast %lt3A_793 : i32 to vector<16xi32>
        %lt3A_795 = arith.cmpi ult, %bitcast3A_792, %lt3A_794 : vector<16xi32>
        %min3A_796 = arith.constant 49951 : i32
        %min3A_797 = vector.broadcast %min3A_796 : i32 to vector<16xi32>
        %min3A_798 = arith.minui %bitcast3A_792, %min3A_797 : vector<16xi32>
        %bitcast3A_799 = vector.bitcast %min3A_798 : vector<16xi32> to vector<16xi32>
        %gather3A_800 = tpu.vector_load_idx %arg6[%bitcast3A_799] : memref<49952xf32, #tpu.memory_space<vmem>>[vector<16xi32>], vector<16xf32>,
        %get3A_801 = arith.index_cast %mul3A_786 : i32 to index
        %get3A_802 = tpu.vector_load %arg9[%get3A_801] {strides = array<i32>} : memref<4096xf32, #tpu.memory_space<vmem>>, vector<16xf32>,
        %select_n3A_803 = arith.select %lt3A_795, %gather3A_800, %get3A_802 : vector<16xi1>, vector<16xf32>
        %swap3A_804 = arith.index_cast %mul3A_786 : i32 to index
        %swap3A_805 = tpu.vector_load %arg9[%swap3A_804] {strides = array<i32>} : memref<4096xf32, #tpu.memory_space<vmem>>, vector<16xf32>,
        tpu.vector_store %arg9[%swap3A_804], %select_n3A_803 {strides = array<i32>} : memref<4096xf32, #tpu.memory_space<vmem>>, vector<16xf32>,
      }
      %scan3A_390 = arith.constant 256 : i32
      %jit3A_391 = arith.constant 32 : i32
      %div3A_392 = arith.divsi %min3A_330, %jit3A_391 : i32
      %sign3A_393 = arith.constant 0 : i32
      %sign3A_394 = arith.cmpi sgt, %min3A_330, %sign3A_393 : i32
      %sign3A_395 = arith.extui %sign3A_394 : i1 to i32
      %sign3A_396 = arith.constant 0 : i32
      %sign3A_397 = arith.cmpi slt, %min3A_330, %sign3A_396 : i32
      %sign3A_398 = arith.extui %sign3A_397 : i1 to i32
      %sign3A_399 = arith.subi %sign3A_395, %sign3A_398 : i32
      %sign3A_400 = arith.constant 0 : i32
      %sign3A_401 = arith.cmpi sgt, %jit3A_391, %sign3A_400 : i32
      %sign3A_402 = arith.extui %sign3A_401 : i1 to i32
      %sign3A_403 = arith.constant 0 : i32
      %sign3A_404 = arith.cmpi slt, %jit3A_391, %sign3A_403 : i32
      %sign3A_405 = arith.extui %sign3A_404 : i1 to i32
      %sign3A_406 = arith.subi %sign3A_402, %sign3A_405 : i32
      %ne3A_407 = arith.cmpi ne, %sign3A_399, %sign3A_406 : i32
      %rem3A_408 = arith.remsi %min3A_330, %jit3A_391 : i32
      %ne3A_409 = arith.constant 0 : i32
      %ne3A_410 = arith.cmpi ne, %rem3A_408, %ne3A_409 : i32
      %and3A_411 = arith.andi %ne3A_407, %ne3A_410 : i1
      %sub3A_412 = arith.constant 1 : i32
      %sub3A_413 = arith.subi %div3A_392, %sub3A_412 : i32
      %select_n3A_414 = arith.select %and3A_411, %sub3A_413, %div3A_392 : i32
      %jit3A_415 = arith.constant 32 : i32
      %eq3A_416 = arith.constant 0 : i32
      %eq3A_417 = arith.cmpi eq, %jit3A_415, %eq3A_416 : i32
      %jit3A_418 = arith.constant 1 : i32
      %select_n3A_419 = arith.select %eq3A_417, %jit3A_418, %jit3A_415 : i32
      %rem3A_420 = arith.remsi %min3A_330, %select_n3A_419 : i32
      %ne3A_421 = arith.constant 0 : i32
      %ne3A_422 = arith.cmpi ne, %rem3A_420, %ne3A_421 : i32
      %lt3A_423 = arith.constant 0 : i32
      %lt3A_424 = arith.cmpi slt, %rem3A_420, %lt3A_423 : i32
      %lt3A_425 = arith.constant 0 : i32
      %lt3A_426 = arith.cmpi slt, %select_n3A_419, %lt3A_425 : i32
      %ne3A_427 = arith.xori %lt3A_424, %lt3A_426 : i1
      %and3A_428 = arith.andi %ne3A_427, %ne3A_422 : i1
      %add3A_429 = arith.addi %rem3A_420, %select_n3A_419 : i32
      %select_n3A_430 = arith.select %and3A_428, %add3A_429, %rem3A_420 : i32
      %dma_start3A_431 = arith.constant 50048 : i32
      %dma_start3A_432 = tpu.memref_slice %arg2[%select_n3A_414, %select_n3A_430, %dma_start3A_431] : memref<26x32x100000xf32, #tpu.memory_space<hbm>> -> memref<1x1x49952xf32, #tpu.memory_space<hbm>>
      %dma_start3A_433 = tpu.memref_squeeze %dma_start3A_432 : memref<1x1x49952xf32, #tpu.memory_space<hbm>> -> memref<49952xf32, #tpu.memory_space<hbm>>
      %dma_start3A_434 = arith.constant 50048 : i32
      %dma_start3A_435 = tpu.memref_slice %arg2[%select_n3A_414, %select_n3A_430, %dma_start3A_434] : memref<26x32x100000xf32, #tpu.memory_space<hbm>> -> memref<1x1x49952xf32, #tpu.memory_space<hbm>>
      %dma_start3A_436 = tpu.memref_squeeze %dma_start3A_435 : memref<1x1x49952xf32, #tpu.memory_space<hbm>> -> memref<49952xf32, #tpu.memory_space<hbm>>
      tpu.enqueue_dma source(%dma_start3A_436 : memref<49952xf32, #tpu.memory_space<hbm>>) target(%arg6 : memref<49952xf32, #tpu.memory_space<vmem>>) target_semaphore(%arg11 : memref<!tpu.dma_semaphore, #tpu.memory_space<semaphore_mem>>)
      %dma_start3A_437 = arith.constant 0 : i32
      %dma_start3A_438 = tpu.memref_slice %arg4[%add3A_284, %dma_start3A_437] : memref<832x4096xf32, #tpu.memory_space<hbm>> -> memref<1x4096xf32, #tpu.memory_space<hbm>>
      %dma_start3A_439 = tpu.memref_squeeze %dma_start3A_438 : memref<1x4096xf32, #tpu.memory_space<hbm>> -> memref<4096xf32, #tpu.memory_space<hbm>>
      %dma_start3A_440 = arith.constant 0 : i32
      %dma_start3A_441 = tpu.memref_slice %arg4[%add3A_284, %dma_start3A_440] : memref<832x4096xf32, #tpu.memory_space<hbm>> -> memref<1x4096xf32, #tpu.memory_space<hbm>>
      %dma_start3A_442 = tpu.memref_squeeze %dma_start3A_441 : memref<1x4096xf32, #tpu.memory_space<hbm>> -> memref<4096xf32, #tpu.memory_space<hbm>>
      tpu.enqueue_dma source(%arg9 : memref<4096xf32, #tpu.memory_space<vmem>>) target(%dma_start3A_442 : memref<4096xf32, #tpu.memory_space<hbm>>) target_semaphore(%arg12 : memref<!tpu.dma_semaphore, #tpu.memory_space<semaphore_mem>>)
      scf.yield %select_n3A_308 : i32
    }
    %scan3A_89 = arith.constant 13 : i32
    %dma_wait3A = arith.constant 0 : i32
    %dma_wait3A_90 = arith.constant 0 : i32
    %dma_wait3A_91 = arith.constant 0 : i32
    %dma_wait3A_92 = tpu.memref_slice %arg2[%dma_wait3A, %dma_wait3A_90, %dma_wait3A_91] : memref<26x32x100000xf32, #tpu.memory_space<hbm>> -> memref<1x1x50048xf32, #tpu.memory_space<hbm>>
    %dma_wait3A_93 = tpu.memref_squeeze %dma_wait3A_92 : memref<1x1x50048xf32, #tpu.memory_space<hbm>> -> memref<50048xf32, #tpu.memory_space<hbm>>
    %dma_wait3A_94 = arith.constant 0 : i32
    %dma_wait3A_95 = tpu.memref_slice %arg2[%dma_wait3A, %dma_wait3A_90, %dma_wait3A_94] : memref<26x32x100000xf32, #tpu.memory_space<hbm>> -> memref<1x1x50048xf32, #tpu.memory_space<hbm>>
    %dma_wait3A_96 = tpu.memref_squeeze %dma_wait3A_95 : memref<1x1x50048xf32, #tpu.memory_space<hbm>> -> memref<50048xf32, #tpu.memory_space<hbm>>
    tpu.wait_dma2 semaphore(%arg10 : memref<!tpu.dma_semaphore, #tpu.memory_space<semaphore_mem>>) src(%dma_wait3A_96 : memref<50048xf32, #tpu.memory_space<hbm>>) dst(%arg5 : memref<50048xf32, #tpu.memory_space<vmem>>)
    %dma_wait3A_97 = arith.constant 0 : i32
    %dma_wait3A_98 = arith.constant 0 : i32
    %dma_wait3A_99 = arith.constant 50048 : i32
    %dma_wait3A_100 = tpu.memref_slice %arg2[%dma_wait3A_97, %dma_wait3A_98, %dma_wait3A_99] : memref<26x32x100000xf32, #tpu.memory_space<hbm>> -> memref<1x1x49952xf32, #tpu.memory_space<hbm>>
    %dma_wait3A_101 = tpu.memref_squeeze %dma_wait3A_100 : memref<1x1x49952xf32, #tpu.memory_space<hbm>> -> memref<49952xf32, #tpu.memory_space<hbm>>
    %dma_wait3A_102 = arith.constant 50048 : i32
    %dma_wait3A_103 = tpu.memref_slice %arg2[%dma_wait3A_97, %dma_wait3A_98, %dma_wait3A_102] : memref<26x32x100000xf32, #tpu.memory_space<hbm>> -> memref<1x1x49952xf32, #tpu.memory_space<hbm>>
    %dma_wait3A_104 = tpu.memref_squeeze %dma_wait3A_103 : memref<1x1x49952xf32, #tpu.memory_space<hbm>> -> memref<49952xf32, #tpu.memory_space<hbm>>
    tpu.wait_dma2 semaphore(%arg11 : memref<!tpu.dma_semaphore, #tpu.memory_space<semaphore_mem>>) src(%dma_wait3A_104 : memref<49952xf32, #tpu.memory_space<hbm>>) dst(%arg6 : memref<49952xf32, #tpu.memory_space<vmem>>)
    %dma_wait3A_105 = arith.constant 0 : i32
    %dma_wait3A_106 = arith.constant 0 : i32
    %dma_wait3A_107 = tpu.memref_slice %arg4[%dma_wait3A_105, %dma_wait3A_106] : memref<832x4096xf32, #tpu.memory_space<hbm>> -> memref<1x4096xf32, #tpu.memory_space<hbm>>
    %dma_wait3A_108 = tpu.memref_squeeze %dma_wait3A_107 : memref<1x4096xf32, #tpu.memory_space<hbm>> -> memref<4096xf32, #tpu.memory_space<hbm>>
    %dma_wait3A_109 = arith.constant 0 : i32
    %dma_wait3A_110 = tpu.memref_slice %arg4[%dma_wait3A_105, %dma_wait3A_109] : memref<832x4096xf32, #tpu.memory_space<hbm>> -> memref<1x4096xf32, #tpu.memory_space<hbm>>
    %dma_wait3A_111 = tpu.memref_squeeze %dma_wait3A_110 : memref<1x4096xf32, #tpu.memory_space<hbm>> -> memref<4096xf32, #tpu.memory_space<hbm>>
    tpu.wait_dma2 semaphore(%arg12 : memref<!tpu.dma_semaphore, #tpu.memory_space<semaphore_mem>>) src(%arg8 : memref<4096xf32, #tpu.memory_space<vmem>>) dst(%dma_wait3A_111 : memref<4096xf32, #tpu.memory_space<hbm>>)
    %dma_wait3A_112 = arith.constant 0 : i32
    %dma_wait3A_113 = arith.constant 0 : i32
    %dma_wait3A_114 = tpu.memref_slice %arg4[%dma_wait3A_112, %dma_wait3A_113] : memref<832x4096xf32, #tpu.memory_space<hbm>> -> memref<1x4096xf32, #tpu.memory_space<hbm>>
    %dma_wait3A_115 = tpu.memref_squeeze %dma_wait3A_114 : memref<1x4096xf32, #tpu.memory_space<hbm>> -> memref<4096xf32, #tpu.memory_space<hbm>>
    %dma_wait3A_116 = arith.constant 0 : i32
    %dma_wait3A_117 = tpu.memref_slice %arg4[%dma_wait3A_112, %dma_wait3A_116] : memref<832x4096xf32, #tpu.memory_space<hbm>> -> memref<1x4096xf32, #tpu.memory_space<hbm>>
    %dma_wait3A_118 = tpu.memref_squeeze %dma_wait3A_117 : memref<1x4096xf32, #tpu.memory_space<hbm>> -> memref<4096xf32, #tpu.memory_space<hbm>>
    tpu.wait_dma2 semaphore(%arg12 : memref<!tpu.dma_semaphore, #tpu.memory_space<semaphore_mem>>) src(%arg9 : memref<4096xf32, #tpu.memory_space<vmem>>) dst(%dma_wait3A_118 : memref<4096xf32, #tpu.memory_space<hbm>>)
    return
  }
}

module attributes {stable_mosaic.version = 14 : i64} {
  func.func @_tc_body(%arg0: i32, %arg1: memref<832x256xf32, #tpu.memory_space<vmem>>, %arg2: memref<832x2048xf32, #tpu.memory_space<vmem>>, %arg3: memref<1x2048xf32, #tpu.memory_space<vmem>>, %arg4: memref<1x2048xf32, #tpu.memory_space<vmem>>, %arg5: memref<1x2048xf32, #tpu.memory_space<vmem>>, %arg6: memref<256x2048xf32, #tpu.memory_space<vmem>>) attributes {dimension_semantics = [#tpu.dimension_semantics<arbitrary>], iteration_bounds = array<i64: 16>, scalar_prefetch = 0 : i64, scratch_operands = 0 : i64, tpu.core_type = #tpu.core_type<tc>, window_params = [{transform_indices = @transform_0, window_bounds = array<i64: 832, 256>}, {pipeline_mode = #tpu.pipeline_mode<synchronous>, transform_indices = @transform_1, window_bounds = array<i64: 832, 2048>}, {pipeline_mode = #tpu.pipeline_mode<synchronous>, transform_indices = @transform_2, window_bounds = array<i64: 1, 2048>}, {pipeline_mode = #tpu.pipeline_mode<synchronous>, transform_indices = @transform_3, window_bounds = array<i64: 1, 2048>}, {pipeline_mode = #tpu.pipeline_mode<synchronous>, transform_indices = @transform_4, window_bounds = array<i64: 1, 2048>}, {transform_indices = @transform_5, window_bounds = array<i64: 256, 2048>}]} {
    %get3A = arith.constant 0 : index
    %get3A_0 = arith.constant 0 : index
    %get3A_1 = vector.load %arg1[%get3A, %get3A_0] : memref<832x256xf32, #tpu.memory_space<vmem>>, vector<832x256xf32>
    %get3A_2 = arith.constant 0 : index
    %get3A_3 = arith.constant 0 : index
    %get3A_4 = vector.load %arg2[%get3A_2, %get3A_3] : memref<832x2048xf32, #tpu.memory_space<vmem>>, vector<832x2048xf32>
    %dot_general3A = arith.constant dense<0.000000e+00> : vector<256x2048xf32>
    %dot_general3A_5 = tpu.matmul %get3A_1, %get3A_4, %dot_general3A {dimension_numbers = #tpu.dot_dimension_numbers<[0], [0], [1], [1], [0, 1, 1, 1], [], []>, transpose_lhs_hint = false} : vector<832x256xf32>, vector<832x2048xf32>, vector<256x2048xf32> -> vector<256x2048xf32>
    %get3A_6 = arith.constant 0 : index
    %get3A_7 = arith.constant 0 : index
    %get3A_8 = vector.load %arg3[%get3A_6, %get3A_7] : memref<1x2048xf32, #tpu.memory_space<vmem>>, vector<1x2048xf32>
    %add3A = vector.broadcast %get3A_8 : vector<1x2048xf32> to vector<256x2048xf32>
    %add3A_9 = arith.addf %dot_general3A_5, %add3A : vector<256x2048xf32>
    %reduce_sum3A = arith.constant dense<0.000000e+00> : vector<256xf32>
    %reduce_sum3A_10 = vector.multi_reduction <add>, %add3A_9, %reduce_sum3A [1] : vector<256x2048xf32> to vector<256xf32>
    %broadcast_in_dim3A = vector.shape_cast %reduce_sum3A_10 : vector<256xf32> to vector<256x1xf32>
    %div3A = arith.constant 2.048000e+03 : f32
    %div3A_11 = vector.broadcast %div3A : f32 to vector<256x1xf32>
    %div3A_12 = arith.divf %broadcast_in_dim3A, %div3A_11 : vector<256x1xf32>
    %sub3A = vector.broadcast %div3A_12 : vector<256x1xf32> to vector<256x2048xf32>
    %sub3A_13 = arith.subf %add3A_9, %sub3A : vector<256x2048xf32>
    %mul3A = arith.mulf %sub3A_13, %sub3A_13 : vector<256x2048xf32>
    %reduce_sum3A_14 = arith.constant dense<0.000000e+00> : vector<256xf32>
    %reduce_sum3A_15 = vector.multi_reduction <add>, %mul3A, %reduce_sum3A_14 [1] : vector<256x2048xf32> to vector<256xf32>
    %broadcast_in_dim3A_16 = vector.shape_cast %reduce_sum3A_15 : vector<256xf32> to vector<256x1xf32>
    %div3A_17 = arith.constant 2.048000e+03 : f32
    %div3A_18 = vector.broadcast %div3A_17 : f32 to vector<256x1xf32>
    %div3A_19 = arith.divf %broadcast_in_dim3A_16, %div3A_18 : vector<256x1xf32>
    %add3A_20 = arith.constant 9.99999974E-6 : f32
    %add3A_21 = vector.broadcast %add3A_20 : f32 to vector<256x1xf32>
    %add3A_22 = arith.addf %div3A_19, %add3A_21 : vector<256x1xf32>
    %rsqrt3A = math.rsqrt %add3A_22 : vector<256x1xf32>
    %mul3A_23 = vector.broadcast %rsqrt3A : vector<256x1xf32> to vector<256x2048xf32>
    %mul3A_24 = arith.mulf %sub3A_13, %mul3A_23 : vector<256x2048xf32>
    %get3A_25 = arith.constant 0 : index
    %get3A_26 = arith.constant 0 : index
    %get3A_27 = vector.load %arg4[%get3A_25, %get3A_26] : memref<1x2048xf32, #tpu.memory_space<vmem>>, vector<1x2048xf32>
    %mul3A_28 = vector.broadcast %get3A_27 : vector<1x2048xf32> to vector<256x2048xf32>
    %mul3A_29 = arith.mulf %mul3A_24, %mul3A_28 : vector<256x2048xf32>
    %get3A_30 = arith.constant 0 : index
    %get3A_31 = arith.constant 0 : index
    %get3A_32 = vector.load %arg5[%get3A_30, %get3A_31] : memref<1x2048xf32, #tpu.memory_space<vmem>>, vector<1x2048xf32>
    %add3A_33 = vector.broadcast %get3A_32 : vector<1x2048xf32> to vector<256x2048xf32>
    %add3A_34 = arith.addf %mul3A_29, %add3A_33 : vector<256x2048xf32>
    %mul3A_35 = arith.constant 5.000000e-01 : f32
    %mul3A_36 = vector.broadcast %mul3A_35 : f32 to vector<256x2048xf32>
    %mul3A_37 = arith.mulf %add3A_34, %mul3A_36 : vector<256x2048xf32>
    %mul3A_38 = arith.constant 0.707106769 : f32
    %mul3A_39 = vector.broadcast %mul3A_38 : f32 to vector<256x2048xf32>
    %mul3A_40 = arith.mulf %add3A_34, %mul3A_39 : vector<256x2048xf32>
    %erf3A = math.erf %mul3A_40 : vector<256x2048xf32>
    %add3A_41 = arith.constant 1.000000e+00 : f32
    %add3A_42 = vector.broadcast %add3A_41 : f32 to vector<256x2048xf32>
    %add3A_43 = arith.addf %add3A_42, %erf3A : vector<256x2048xf32>
    %mul3A_44 = arith.mulf %mul3A_37, %add3A_43 : vector<256x2048xf32>
    %swap3A = arith.constant 0 : index
    %swap3A_45 = arith.constant 0 : index
    %swap3A_46 = vector.load %arg6[%swap3A, %swap3A_45] : memref<256x2048xf32, #tpu.memory_space<vmem>>, vector<256x2048xf32>
    tpu.vector_store %arg6[%swap3A, %swap3A_45], %mul3A_44 {strides = array<i32>} : memref<256x2048xf32, #tpu.memory_space<vmem>>, vector<256x2048xf32>,
    return
  }
  func.func @transform_0(%arg0: i32) -> (i32, i32) {
    %c0_i32 = arith.constant 0 : i32
    %c0_i32_0 = arith.constant 0 : i32
    return %c0_i32, %arg0 : i32, i32
  }
  func.func @transform_1(%arg0: i32) -> (i32, i32) {
    %c0_i32 = arith.constant 0 : i32
    %c0_i32_0 = arith.constant 0 : i32
    %c0_i32_1 = arith.constant 0 : i32
    return %c0_i32, %c0_i32_0 : i32, i32
  }
  func.func @transform_2(%arg0: i32) -> (i32, i32) {
    %c0_i32 = arith.constant 0 : i32
    %c0_i32_0 = arith.constant 0 : i32
    %c0_i32_1 = arith.constant 0 : i32
    return %c0_i32, %c0_i32_0 : i32, i32
  }
  func.func @transform_3(%arg0: i32) -> (i32, i32) {
    %c0_i32 = arith.constant 0 : i32
    %c0_i32_0 = arith.constant 0 : i32
    %c0_i32_1 = arith.constant 0 : i32
    return %c0_i32, %c0_i32_0 : i32, i32
  }
  func.func @transform_4(%arg0: i32) -> (i32, i32) {
    %c0_i32 = arith.constant 0 : i32
    %c0_i32_0 = arith.constant 0 : i32
    %c0_i32_1 = arith.constant 0 : i32
    return %c0_i32, %c0_i32_0 : i32, i32
  }
  func.func @transform_5(%arg0: i32) -> (i32, i32) {
    %c0_i32 = arith.constant 0 : i32
    %c0_i32_0 = arith.constant 0 : i32
    return %arg0, %c0_i32 : i32, i32
  }
}

</mosaic_0001>

<sc_bundles>
// kernel: kernel.4.cloned.1.call-start
scs
__scs_entry_jumppad:
0x0: {  	(pc) =	sbr.rel $0x88, $3  }
0x1: {  	(tag) =	ssettag $0x0;
	lr =	simm.s32 $0x1  }
0x2: {  	[smem:$0x3F9B] =	sst lr;
	_ =	strace $0xD0000000  }
0x3: {  	_ = 	snop  }
0x4: {  	_ = 	snop  }
0x5: {  	_ = 	snop  }
0x6: {  	_ = 	snop  }
0x7: {  	_ = 	snop  }
__scs_overlays_trampoline_lowered:
0x8: {  	[smem:$0x3FAA] =	sst s0  }
0x9: {  	[smem:$0x3FAB] =	sst s1  }
0xa: {  	[smem:$0x3FAC] =	sst s2  }
0xb: {  	[smem:$0x3FAD] =	sst s3  }
0xc: {  	[smem:$0x3FAE] =	sst s4  }
0xd: {  	[smem:$0x3FAF] =	sst s5  }
0xe: {  	[smem:$0x3FB0] =	sst s6  }
0xf: {  	[smem:$0x3FB1] =	sst s7  }
0x10: {  	[smem:$0x3FB2] =	sst s8  }
0x11: {  	[smem:$0x3FB3] =	sst s9;
	s0 =	simm.s32 @!p0 $0x0  }
0x12: {  	s1 =	sld [smem:$0x3F99];
	s0 =	simm.s32 @p0 $0x1  }
0x13: {  	[smem:$0x3FB4] =	sst s0;
	s0 =	simm.s32 @!p1 $0x0  }
0x14: {  	s2 =	sld [smem:$0x3F98];
	s0 =	simm.s32 @p1 $0x1  }
0x15: {  	[smem:$0x3FB5] =	sst s0;
	s0 =	simm.s32 @!p2 $0x0  }
0x16: {  	s3 =	sld [smem:$0x3FDB];
	s0 =	simm.s32 @p2 $0x1  }
0x17: {  	s4 =	simm.s32 $0x1BF5;
	[smem:$0x3FB7] =	sst s0  }
0x18: {  	s0 =	sld [smem:$0x3F9A];
	_ =	swait.ge [sflag:s4], $0x0  }
0x19: {  	s7 =	sld [smem:$0x3F9B]  }
0x1a: {  	s8 =	sadd.s32 $0xFFFFE003, lr  }
0x1b: {  	s9 =	sadd.s32 $0xFFFFFEF7, lr;
	s5 =	simm.s32 $0xFFFFFFFF;
	p2 =	slt.u32 s8, $0xFFFFF086  }
0x1c: {  	p1 =	slt.u32 s9, $0xF7A;
	s5 =	simm.s32 @!p2 $0x0  }
0x1d: {  	s5 =	simm.s32 @p1 $0x1;
	p0 =	seq.s32 s7, s2  }
0x1e: {  	s7 =	smul.u32 @!p0 $0xF7A, s2;
	p2 =	seq.s32 @!p0 s5, $0x0  }
0x1f: {  	s9 =	smul.u32 $0xF7A, s1;
	s8 =	simm.s32 @!p0 $0x1BF5;
	p2 =	por !p2, p0  }
0x20: {  	[sflag:s8] =	ssyncset.s32 @!p0 $0xFFFFF086;
	s6 =	sadd.s32 @!p0 s3, s7;
	s7 =	simm.s32 @!p0 $0x108  }
0x21: {  	s3 =	sadd.s32 s3, s9;
	s6 =	sadd.s32 @!p0 $0x88, s6;
	s7 =	simm.s32 @p2 $0x1082  }
0x22: {  	[simem:s7], [sflag:s8] =	dma.local @!p0 [hbm:s6], $0xF7A  }
0x23: {  	s9 =	sor.u32 $0xD0000000, s2;
	s6 =	simm.s32 $0x108;
	_ =	swait.ge @!p0 [sflag:s8], $0x0  }
0x24: {  	s3 =	sadd.s32 $0x88, s3;
	s6 =	simm.s32 @!p1 $0x1082;
	[sflag:s4] =	ssyncset.s32 $0xFFFFF086  }
0x25: {  	[simem:s6], [sflag:s4] =	dma.local [hbm:s3], $0xF7A  }
0x26: {  	[smem:$0x3F9B] =	sst s1;
	(tag) =	ssettag s2;
	_ =	strace s9  }
0x27: {  	s1 =	sld [smem:$0x3FAB]  }
0x28: {  	s2 =	sld [smem:$0x3FAC]  }
0x29: {  	s4 =	sld [smem:$0x3FAE]  }
0x2a: {  	p0 =	seq.s32 s5, $0x0;
	s5 =	sld [smem:$0x3FAF]  }
0x2b: {  	s6 =	sld [smem:$0x3FB0]  }
0x2c: {  	s7 =	sld [smem:$0x3FB1]  }
0x2d: {  	s3 =	simm.s32 $0x108;
	s8 =	sld [smem:$0x3FB2]  }
0x2e: {  	s3 =	simm.s32 @!p0 $0x1082;
	s9 =	sld [smem:$0x3FB3]  }
0x2f: {  	lr =	sadd.s32 s0, s3;
	s0 =	sld [smem:$0x3FAA]  }
0x30: {  	s3 =	sld [smem:$0x3FAD]  }
0x31: {  	[smem:$0x3FB6] =	sst s10  }
0x32: {  	s10 =	sld [smem:$0x3FB4];
	_ =	sdelay $0x3  }
0x33: {  	p0 =	seq.s32 s10, $0x1;
	s10 =	sld [smem:$0x3FB6];
	_ =	sdelay $0x3  }
0x34: {  	[smem:$0x3FB6] =	sst s10  }
0x35: {  	s10 =	sld [smem:$0x3FB5];
	_ =	sdelay $0x3  }
0x36: {  	p1 =	seq.s32 s10, $0x1;
	s10 =	sld [smem:$0x3FB6];
	_ =	sdelay $0x3  }
0x37: {  	[smem:$0x3FB6] =	sst s10  }
0x38: {  	s10 =	sld [smem:$0x3FB7]  }
0x39: {  	_ = 	snop;
	(pc) =	sbr.ind lr, $3  }
0x3a: {  	_ = 	snop  }
0x3b: {  	_ = 	snop  }
0x3c: {  	p2 =	seq.s32 s10, $0x1;
	s10 =	sld [smem:$0x3FB6]  }
0x3d: {  	_ =	shalt  }
0x3e: {  	_ =	shalt  }
0x3f: {  	_ =	shalt  }
0x40: {  	_ =	shalt  }
0x41: {  	_ =	shalt  }
0x42: {  	_ =	shalt  }
0x43: {  	_ =	shalt  }
0x44: {  	_ =	shalt  }
0x45: {  	_ =	shalt  }
0x46: {  	_ =	shalt  }
0x47: {  	_ =	shalt  }
0x48: {  	_ =	shalt  }
0x49: {  	_ =	shalt  }
0x4a: {  	_ =	shalt  }
0x4b: {  	_ =	shalt  }
0x4c: {  	_ =	shalt  }
0x4d: {  	_ =	shalt  }
0x4e: {  	_ =	shalt  }
0x4f: {  	_ =	shalt  }
0x50: {  	_ =	shalt  }
0x51: {  	_ =	shalt  }
0x52: {  	_ =	shalt  }
0x53: {  	_ =	shalt  }
0x54: {  	_ =	shalt  }
0x55: {  	_ =	shalt  }
0x56: {  	_ =	shalt  }
0x57: {  	_ =	shalt  }
0x58: {  	_ =	shalt  }
0x59: {  	_ =	shalt  }
0x5a: {  	_ =	shalt  }
0x5b: {  	_ =	shalt  }
0x5c: {  	_ =	shalt  }
0x5d: {  	_ =	shalt  }
0x5e: {  	_ =	shalt  }
0x5f: {  	_ =	shalt  }
0x60: {  	_ =	shalt  }
0x61: {  	_ =	shalt  }
0x62: {  	_ =	shalt  }
0x63: {  	_ =	shalt  }
0x64: {  	_ =	shalt  }
0x65: {  	_ =	shalt  }
0x66: {  	_ =	shalt  }
0x67: {  	_ =	shalt  }
0x68: {  	_ =	shalt  }
0x69: {  	_ =	shalt  }
0x6a: {  	_ =	shalt  }
0x6b: {  	_ =	shalt  }
0x6c: {  	_ =	shalt  }
0x6d: {  	_ =	shalt  }
0x6e: {  	_ =	shalt  }
0x6f: {  	_ =	shalt  }
0x70: {  	_ =	shalt  }
0x71: {  	_ =	shalt  }
0x72: {  	_ =	shalt  }
0x73: {  	_ =	shalt  }
0x74: {  	_ =	shalt  }
0x75: {  	_ =	shalt  }
0x76: {  	_ =	shalt  }
0x77: {  	_ =	shalt  }
0x78: {  	_ =	shalt  }
0x79: {  	_ =	shalt  }
0x7a: {  	_ =	shalt  }
0x7b: {  	_ =	shalt  }
0x7c: {  	_ =	shalt  }
0x7d: {  	_ =	shalt  }
0x7e: {  	_ =	shalt  }
0x7f: {  	_ =	shalt  }
0x80: {  	_ =	shalt  }
0x81: {  	_ =	shalt  }
0x82: {  	_ =	shalt  }
0x83: {  	_ =	shalt  }
0x84: {  	_ =	shalt  }
0x85: {  	_ =	shalt  }
0x86: {  	_ =	shalt  }
0x87: {  	_ =	shalt  }
.Lfunc_end0:
.L_simem_size_0:
called_computation_lowered:
.L_overlay_start_0:
0x88: {  	s2 =	sld [smem:$0x3FD9]  }
0x89: {  	s3 =	sld [smem:$0x3FFE];
	_ =	sdelay $0x1  }
0x8a: {  	s1 =	srdreg.scid  }
0x8b: {  	s0 =	sand.u32 $0x1, s1  }
0x8c: {  	s18 =	sshll.u32 s0, $0xA;
	s2 =	sadd.s32 s3, s2  }
0x8d: {  	s2 =	sadd.s32 s2, s18  }
0x8e: {  	[smem:$0x3FC2] =	sst s2  }
0x8f: {  	_ = 	snop  }
0x90: {  	s2 =	sld [smem:$0x3FC9]  }
0x91: {  	s19 =	sld [smem:$0x3FC8]  }
0x92: {  	s4 =	sld [smem:$0x3FD0];
	(tm) =	ssettm $0x1  }
0x93: {  	s5 =	sld [smem:$0x3FFB];
	_ =	sdelay $0x3  }
0x94: {  	_ =	strace s5  }
0x95: {  	s5 =	sld [smem:$0x3FFC];
	_ =	sdelay $0x3  }
0x96: {  	_ =	strace s5  }
0x97: {  	s5 =	sld [smem:$0x3FFD];
	_ =	sdelay $0x3  }
0x98: {  	_ =	strace s5  }
0x99: {  	_ =	strace $0x8FFFFFFF  }
0x9a: {  	s20 =	sld [smem:$0x3FDB];
	_ =	sdelay $0x1  }
0x9b: {  	s6 =	simm.s32 $_scs_section_size  }
0x9c: {  	s7 =	simm.s32 $_size__tile_overlayer_lowered;
	s8 =	simm.s32 $_tile_overlayer_lowered  }
0x9d: {  	s23 =	simm.s32 $0x1BFF;
	s22 =	sshll.u32 s8, $0x1;
	s5 =	sadd.s32 s6, s20  }
0x9e: {  	s9 =	simm.s32 $0x0;
	s21 =	sshll.u32 s7, $0x1;
	s7 =	sadd.s32 s22, s5  }
0x9f: {  	[timem:s9], [sflag:s23] =	dma.local [hbm:s7], s21  }
0xa0: {  	_ =	swait.ge [sflag:s23], s21  }
0xa1: {  	s6 =	ssub.s32 $0x0, s21;
	[sflag:s23] =	ssyncset.done $0x0  }
0xa2: {  	[sflag:s23] =	ssyncadd.s32 s6;
	_ =	sdelay $0x1  }
0xa3: {  	s24 =	simm.s32 $0x1B8B  }
0xa4: {  	_ =	swait.ge [sflag:s24], $0x1  }
0xa5: {  	[sflag:s24] =	ssyncset.done $0x0  }
0xa6: {  	s25 =	simm.s32 $0x1B8E;
	[sflag:s24] =	ssyncadd.s32 $0xFFFFFFFF  }
0xa7: {  	s26 =	simm.s32 $execute0_lowered;
	[smem:$0x3FD2] =	sst s25  }
0xa8: {  	s6 =	sshll.u32 s26, $0x1;
	_ =	strace $0x80000046;
	[dreg:$0x1] =	wrdreg $0xFFFFFFFF  }
0xa9: {  	s28 =	simm.s32 $_size_execute0_lowered;
	s5 =	sadd.s32 s5, s6;
	[dreg:$0x0] =	wrdreg $0x0  }
0xaa: {  	s6 =	sshll.u32 s28, $0x1;
	[dreg:$0x2] =	wrdreg s5  }
0xab: {  	[dreg:$0x3] =	wrdreg s6  }
0xac: {  	[dreg:$0x4] =	wrdreg $0xC0  }
0xad: {  	_ =	task [dreg:s9], $0x5FFFF  }
0xae: {  	[dreg:$0x1] =	wrdreg $0xFFFFFFFF  }
0xaf: {  	[dreg:$0x0] =	wrdreg $0x60  }
0xb0: {  	[dreg:$0x2] =	wrdreg s19  }
0xb1: {  	[dreg:$0x3] =	wrdreg s2  }
0xb2: {  	[dreg:$0x4] =	wrdreg s4  }
0xb3: {  	[dreg:$0x5] =	wrdreg $0x9  }
0xb4: {  	_ =	task.clear_ibuf [dreg:s9], $0x6FFFF;
	_ =	strace $0x90000046  }
0xb5: {  	s29 =	simm.s32 $0x9;
	_ =	strace $0x80000048  }
0xb6: {  	_ =	swait.ge [sflag:s29], $0x1  }
0xb7: {  	[sflag:s29] =	ssyncadd.s32 $0xFFFFFFFF  }
0xb8: {  	_ =	strace $0x90000048  }
0xb9: {  	_ =	sfence  }
0xba: {  	s30 =	sld [smem:$0x0];
	_ =	sdelay $0x2  }
0xbb: {  	s31 =	sshll.u32 s1, $0xD;
	s1 =	sshrl.u32 s1, $0x2  }
0xbc: {  	s3 =	sand.u32 $0x4000, s31;
	s1 =	sadd.s32 s1, s30  }
0xbd: {  	s0 =	sor.u32 s3, s0;
	s1 =	sshll.u32 s1, $0x11  }
0xbe: {  	s0 =	sor.u32 s1, s0  }
0xbf: {  	s0 =	sadd.s32 $0x8F2B, s0  }
0xc0: {  	[sflag:s0] =	ssyncadd.remote.s32 $0x1  }
0xc1: {  	_ =	sfence.sel $0xFFFF  }
0xc2: {  	[dreg:$0x0] =	wrdreg $0xFFFFFFFF;
	(pc) =	sbr.abs _section_cstart, $3  }
0xc3: {  	[dreg:$0x1] =	wrdreg $0xFFFFFFFF  }
0xc4: {  	_ =	task.clear_ibuf [dreg:s9], $0x2FFFF;
	_ =	strace $0x9FFFFFFF  }
0xc5: {  	(tm) =	ssettm $0x7FFFFFFF  }
tec
execute0_lowered:
.L_overlay_start_1:
0x0: {  	(tag) =	ssettag $0x1  }
0x1: {  	s1 =	srdreg.scid;
	s0 =	stileid.u32  }
0x2: {  	s2 =	rddreg [dreg:$0x0];
	s7 =	sand.u32 $0x1, s1;
	s24 =	sshll.u32 s0, $0x1  }
0x3: {  	s4 =	rddreg [dreg:$0x1];
	s1 =	sor.u32 s7, s24  }
0x4: {  	s6 =	simm.s32 $0x0;
	s11 =	simm.s32 $0x400;
	s1 =	smul.u32 $0x1A, s1  }
0x5: {  	s12 =	simm.s32 $0xC380;
	s13 =	simm.s32 $0x1;
	s14 =	simm.s32 $0x2  }
0x6: {  	s15 =	simm.s32 $0x19700;
	s3 =	sshrl.u32 s1, $0x5;
	s5 =	sand.u32 $0x18, s1  }
0x7: {  	s16 =	simm.s32 $0x1A700;
	s8 =	smul.u32 $0x30E000, s3;
	s25 =	sshrl.u32 s5, $0x3  }
0x8: {  	s17 =	simm.s32 $0x3;
	s18 =	simm.s32 $0x0;
	s9 =	smul.u32 $0xC3800, s25  }
0x9: {  	[smem:$0x7FF] =	sst s6;
	s7 =	ssub.s32 $0x2, s7;
	s10 =	sshll.u32 s1, $0x7  }
0xa: {  	s5 =	rddreg [dreg:$0x2];
	s26 =	sand.u32 $0x300, s10;
	s8 =	sadd.s32 s8, s9  }
0xb: {  	s28 =	sshrl.u32 s7, $0x1;
	s3 =	rddreg [dreg:$0x3];
	s8 =	sor.u32 s26, s8  }
0xc: {  	_ =	strace $0x80000047;
	s10 =	simm.s32 $0x80;
	s29 =	sadd.s32 $0x61C00, s8  }
0xd: {  	s9 =	ssub.s32 s7, s28;
	s30 =	sshrl.u32 s8, $0x3;
	s31 =	sshrl.u32 s29, $0x3  }
0xe: {  	s9 =	smax.u32 s9, $0x1;
	s7 =	sadd.s32 s2, s30;
	s8 =	sadd.s32 s2, s31  }
.LBB2_1:
0xf: {  	[tilespmem:s6], [sflag:$0x1] =	stream.strided.gather [hbm4b:s7+s10], $0xC380, s11, s10, $0x38;
	[tilespmem:$0x1B700] =	vst v63  }
0x10: {  	s20 =	simm.s32 $0xFFFFFFFF;
	s19 =	simm.s32 $0x0  }
0x11: {  	[tilespmem:s12], [sflag:$0x2] =	stream.strided.gather [hbm4b:s8+s10], $0xC380, s11, s10, $0x38;
	[tilespmem:$0x1B700] =	vst v63  }
.LBB2_2:
0x12: {  	p1 =	seq.s32 s19, $0x0  }
0x13: {  	s21 =	sshll.u32 s19, $0x1;
	s24 =	simm.s32 @!p1 $0x3  }
0x14: {  	s22 =	sadd.s32 s1, s21;
	_ =	swait.ge @!p1 [sflag:s24], $0x1000  }
0x15: {  	s23 =	smov.u32 s20;
	s20 =	sshrl.u32 s22, $0x5;
	[sflag:s24] =	ssyncset.done @!p1 $0x0  }
0x16: {  	p0 =	seq.s32 s20, s23;
	[sflag:s24] =	ssyncadd.s32 @!p1 $0xFFFFF000  }
0x17: {  	s21 =	sshll.u32 @!p0 s20, $0x4;
	s23 =	sshll.u32 @!p0 s20, $0x9;
	_ =	swait.ge @!p1 [sflag:s24], $0x1000  }
0x18: {  	s25 =	simm.s32 @!p0 $0x18700;
	s21 =	sand.u32 @!p0 $0x70, s21;
	[sflag:s24] =	ssyncset.done @!p1 $0x0  }
0x19: {  	s23 =	sand.u32 @!p0 $0xFFFF000, s23;
	s21 =	sadd.s32 @!p0 s4, s21;
	[sflag:s24] =	ssyncadd.s32 @!p1 $0xFFFFF000  }
0x1a: {  	s21 =	sadd.s32 @!p0 s23, s21;
	s23 =	simm.s32 @!p0 $0x80;
	s24 =	simm.s32 @!p0 $0x400  }
0x1b: {  	[tilespmem:s25], [sflag:$0x4] =	stream.strided.gather @!p0 [hbm4b:s21+s23], $0x1000, s24, s23, $0x38;
	[tilespmem:$0x1B700] =	vst v63  }
0x1c: {  	s21 =	simm.s32 @!p0 $0x4  }
0x1d: {  	_ =	swait.ge @!p0 [sflag:s21], $0x1000  }
0x1e: {  	[sflag:s21] =	ssyncset.done @!p0 $0x0  }
0x1f: {  	[sflag:s21] =	ssyncadd.s32 @!p0 $0xFFFFF000  }
0x20: {  	_ =	swait.ge [sflag:s13], $0xC380  }
0x21: {  	s23 =	simm.s32 $0x19780;
	[sflag:s13] =	ssyncset.done $0x0  }
0x22: {  	s24 =	simm.s32 $0x18780;
	s21 =	simm.s32 $0xFFFFFFF0;
	[sflag:s13] =	ssyncadd.s32 $0xFFFF3C80  }
.LBB2_3:
0x23: {  	v0 =	vld [tilespmem:s24+$0xFFFFFF80];
	_ =	sdelay $0x4  }
0x24: {  	v0 =	vmin.u32 v0, $0xC37F;
	_ =	sdelay $0x4  }
0x25: {  	v0 =	vld.idx.msk [tilespmem:v0+s6+$0x0], $0xffff;
	_ =	sdelay $0x4  }
0x26: {  	[tilespmem:s23+$0xFFFFFF80] =	vst v0  }
0x27: {  	v0 =	vld [tilespmem:s24+$0xFFFFFF90];
	_ =	sdelay $0x4  }
0x28: {  	v0 =	vmin.u32 v0, $0xC37F;
	_ =	sdelay $0x4  }
0x29: {  	v0 =	vld.idx.msk [tilespmem:v0+s6+$0x0], $0xffff;
	_ =	sdelay $0x4  }
0x2a: {  	[tilespmem:s23+$0xFFFFFF90] =	vst v0  }
0x2b: {  	v0 =	vld [tilespmem:s24+$0xFFFFFFA0];
	_ =	sdelay $0x4  }
0x2c: {  	v0 =	vmin.u32 v0, $0xC37F;
	_ =	sdelay $0x4  }
0x2d: {  	v0 =	vld.idx.msk [tilespmem:v0+s6+$0x0], $0xffff;
	_ =	sdelay $0x4  }
0x2e: {  	[tilespmem:s23+$0xFFFFFFA0] =	vst v0  }
0x2f: {  	v0 =	vld [tilespmem:s24+$0xFFFFFFB0];
	_ =	sdelay $0x4  }
0x30: {  	v0 =	vmin.u32 v0, $0xC37F;
	_ =	sdelay $0x4  }
0x31: {  	v0 =	vld.idx.msk [tilespmem:v0+s6+$0x0], $0xffff;
	_ =	sdelay $0x4  }
0x32: {  	[tilespmem:s23+$0xFFFFFFB0] =	vst v0  }
0x33: {  	v0 =	vld [tilespmem:s24+$0xFFFFFFC0];
	_ =	sdelay $0x4  }
0x34: {  	v0 =	vmin.u32 v0, $0xC37F;
	_ =	sdelay $0x4  }
0x35: {  	v0 =	vld.idx.msk [tilespmem:v0+s6+$0x0], $0xffff;
	_ =	sdelay $0x4  }
0x36: {  	[tilespmem:s23+$0xFFFFFFC0] =	vst v0  }
0x37: {  	v0 =	vld [tilespmem:s24+$0xFFFFFFD0];
	_ =	sdelay $0x4  }
0x38: {  	v0 =	vmin.u32 v0, $0xC37F;
	_ =	sdelay $0x4  }
0x39: {  	v0 =	vld.idx.msk [tilespmem:v0+s6+$0x0], $0xffff;
	_ =	sdelay $0x4  }
0x3a: {  	[tilespmem:s23+$0xFFFFFFD0] =	vst v0  }
0x3b: {  	v0 =	vld [tilespmem:s24+$0xFFFFFFE0];
	_ =	sdelay $0x4  }
0x3c: {  	v0 =	vmin.u32 v0, $0xC37F;
	_ =	sdelay $0x4  }
0x3d: {  	v0 =	vld.idx.msk [tilespmem:v0+s6+$0x0], $0xffff;
	_ =	sdelay $0x4  }
0x3e: {  	[tilespmem:s23+$0xFFFFFFE0] =	vst v0  }
0x3f: {  	v0 =	vld [tilespmem:s24+$0xFFFFFFF0];
	_ =	sdelay $0x4  }
0x40: {  	v0 =	vmin.u32 v0, $0xC37F;
	_ =	sdelay $0x4  }
0x41: {  	v0 =	vld.idx.msk [tilespmem:v0+s6+$0x0], $0xffff;
	_ =	sdelay $0x4  }
0x42: {  	[tilespmem:s23+$0xFFFFFFF0] =	vst v0  }
0x43: {  	v0 =	vld [tilespmem:s24+$0x0];
	_ =	sdelay $0x4  }
0x44: {  	v0 =	vmin.u32 v0, $0xC37F;
	_ =	sdelay $0x4  }
0x45: {  	v0 =	vld.idx.msk [tilespmem:v0+s6+$0x0], $0xffff;
	_ =	sdelay $0x4  }
0x46: {  	[tilespmem:s23+$0x0] =	vst v0  }
0x47: {  	v0 =	vld [tilespmem:s24+$0x10];
	_ =	sdelay $0x4  }
0x48: {  	v0 =	vmin.u32 v0, $0xC37F;
	_ =	sdelay $0x4  }
0x49: {  	v0 =	vld.idx.msk [tilespmem:v0+s6+$0x0], $0xffff;
	_ =	sdelay $0x4  }
0x4a: {  	[tilespmem:s23+$0x10] =	vst v0  }
0x4b: {  	v0 =	vld [tilespmem:s24+$0x20];
	_ =	sdelay $0x4  }
0x4c: {  	v0 =	vmin.u32 v0, $0xC37F;
	_ =	sdelay $0x4  }
0x4d: {  	v0 =	vld.idx.msk [tilespmem:v0+s6+$0x0], $0xffff;
	_ =	sdelay $0x4  }
0x4e: {  	[tilespmem:s23+$0x20] =	vst v0  }
0x4f: {  	v0 =	vld [tilespmem:s24+$0x30];
	_ =	sdelay $0x4  }
0x50: {  	v0 =	vmin.u32 v0, $0xC37F;
	_ =	sdelay $0x4  }
0x51: {  	v0 =	vld.idx.msk [tilespmem:v0+s6+$0x0], $0xffff;
	_ =	sdelay $0x4  }
0x52: {  	[tilespmem:s23+$0x30] =	vst v0  }
0x53: {  	v0 =	vld [tilespmem:s24+$0x40];
	_ =	sdelay $0x4  }
0x54: {  	v0 =	vmin.u32 v0, $0xC37F;
	_ =	sdelay $0x4  }
0x55: {  	v0 =	vld.idx.msk [tilespmem:v0+s6+$0x0], $0xffff;
	_ =	sdelay $0x4  }
0x56: {  	[tilespmem:s23+$0x40] =	vst v0  }
0x57: {  	v0 =	vld [tilespmem:s24+$0x50];
	_ =	sdelay $0x4  }
0x58: {  	v0 =	vmin.u32 v0, $0xC37F;
	_ =	sdelay $0x4  }
0x59: {  	v0 =	vld.idx.msk [tilespmem:v0+s6+$0x0], $0xffff;
	_ =	sdelay $0x4  }
0x5a: {  	[tilespmem:s23+$0x50] =	vst v0  }
0x5b: {  	v0 =	vld [tilespmem:s24+$0x60];
	_ =	sdelay $0x4  }
0x5c: {  	v0 =	vmin.u32 v0, $0xC37F;
	_ =	sdelay $0x4  }
0x5d: {  	v0 =	vld.idx.msk [tilespmem:v0+s6+$0x0], $0xffff;
	_ =	sdelay $0x4  }
0x5e: {  	[tilespmem:s23+$0x60] =	vst v0  }
0x5f: {  	v0 =	vld [tilespmem:s24+$0x70];
	_ =	sdelay $0x4  }
0x60: {  	v0 =	vmin.u32 v0, $0xC37F;
	_ =	sdelay $0x3  }
0x61: {  	s21 =	sadd.s32 $0x10, s21  }
0x62: {  	p0 =	slt.u32 s21, $0xF0;
	v0 =	vld.idx.msk [tilespmem:v0+s6+$0x0], $0xffff  }
.Ltmp0:
0x63: {  	_ = 	snop;
	(pc) =	sbr.rel @p0 .LBB2_3-.Ltmp0, $2  }
0x64: {  	_ =	sdelay $0x2  }
0x65: {  	s24 =	sadd.s32 $0x100, s24;
	[tilespmem:s23+$0x70] =	vst v0;
	s23 =	sadd.s32 $0x100, s23  }
0x66: {  	s21 =	sshrl.u32 s22, $0x3  }
0x67: {  	s24 =	smul.u32 $0x30E000, s20;
	s23 =	sand.u32 $0x3, s21  }
0x68: {  	s21 =	sor.u32 $0x1, s22;
	s23 =	smul.u32 $0xC3800, s23  }
0x69: {  	s25 =	sshll.u32 s21, $0x7  }
0x6a: {  	s23 =	sadd.s32 s24, s23;
	s24 =	sand.u32 $0x380, s25  }
0x6b: {  	s25 =	sor.u32 s24, s23  }
0x6c: {  	s25 =	sshrl.u32 s25, $0x3  }
0x6d: {  	s25 =	sadd.s32 s2, s25  }
0x6e: {  	[tilespmem:s6], [sflag:$0x1] =	stream.strided.gather [hbm4b:s25+s10], $0xC380, s11, s10, $0x38;
	[tilespmem:$0x1B700] =	vst v63  }
0x6f: {  	_ =	swait.ge [sflag:s14], $0xC380  }
0x70: {  	s26 =	simm.s32 $0x19780;
	[sflag:s14] =	ssyncset.done $0x0  }
0x71: {  	s28 =	simm.s32 $0x18780;
	s25 =	simm.s32 $0xFFFFFFF0;
	[sflag:s14] =	ssyncadd.s32 $0xFFFF3C80  }
.LBB2_5:
0x72: {  	v0 =	vld [tilespmem:s28+$0xFFFFFF80];
	_ =	sdelay $0x4  }
0x73: {  	v0 =	vadd.s32 $0xFFFF3C80, v0  }
0x74: {  	v1 =	vmin.u32 v0, $0xC31F;
	_ =	sdelay $0x3  }
0x75: {  	v2 =	vld [tilespmem:s26+$0xFFFFFF80]  }
0x76: {  	v1 =	vld.idx.msk [tilespmem:v1+s12+$0x0], $0xffff;
	_ =	sdelay $0x3  }
0x77: {  	vm0 =	vlt.u32 v0, $0xC320  }
0x78: {  	v0 =	vsel vm0, v1, v2  }
0x79: {  	[tilespmem:s26+$0xFFFFFF80] =	vst v0  }
0x7a: {  	v0 =	vld [tilespmem:s28+$0xFFFFFF90];
	_ =	sdelay $0x4  }
0x7b: {  	v0 =	vadd.s32 $0xFFFF3C80, v0  }
0x7c: {  	v34 =	vmin.u32 v0, $0xC31F;
	_ =	sdelay $0x3  }
0x7d: {  	v35 =	vld [tilespmem:s26+$0xFFFFFF90]  }
0x7e: {  	v1 =	vld.idx.msk [tilespmem:v34+s12+$0x0], $0xffff;
	_ =	sdelay $0x3  }
0x7f: {  	vm13 =	vlt.u32 v0, $0xC320  }
0x80: {  	v0 =	vsel vm13, v1, v35  }
0x81: {  	[tilespmem:s26+$0xFFFFFF90] =	vst v0  }
0x82: {  	v0 =	vld [tilespmem:s28+$0xFFFFFFA0];
	_ =	sdelay $0x4  }
0x83: {  	v0 =	vadd.s32 $0xFFFF3C80, v0  }
0x84: {  	v36 =	vmin.u32 v0, $0xC31F;
	_ =	sdelay $0x3  }
0x85: {  	v37 =	vld [tilespmem:s26+$0xFFFFFFA0]  }
0x86: {  	v1 =	vld.idx.msk [tilespmem:v36+s12+$0x0], $0xffff;
	_ =	sdelay $0x3  }
0x87: {  	vm14 =	vlt.u32 v0, $0xC320  }
0x88: {  	v0 =	vsel vm14, v1, v37  }
0x89: {  	[tilespmem:s26+$0xFFFFFFA0] =	vst v0  }
0x8a: {  	v0 =	vld [tilespmem:s28+$0xFFFFFFB0];
	_ =	sdelay $0x4  }
0x8b: {  	v0 =	vadd.s32 $0xFFFF3C80, v0  }
0x8c: {  	v38 =	vmin.u32 v0, $0xC31F;
	_ =	sdelay $0x3  }
0x8d: {  	v39 =	vld [tilespmem:s26+$0xFFFFFFB0]  }
0x8e: {  	v1 =	vld.idx.msk [tilespmem:v38+s12+$0x0], $0xffff;
	_ =	sdelay $0x3  }
0x8f: {  	vm15 =	vlt.u32 v0, $0xC320  }
0x90: {  	v0 =	vsel vm15, v1, v39  }
0x91: {  	[tilespmem:s26+$0xFFFFFFB0] =	vst v0  }
0x92: {  	v0 =	vld [tilespmem:s28+$0xFFFFFFC0];
	_ =	sdelay $0x4  }
0x93: {  	v0 =	vadd.s32 $0xFFFF3C80, v0  }
0x94: {  	v40 =	vmin.u32 v0, $0xC31F;
	_ =	sdelay $0x3  }
0x95: {  	v41 =	vld [tilespmem:s26+$0xFFFFFFC0]  }
0x96: {  	v1 =	vld.idx.msk [tilespmem:v40+s12+$0x0], $0xffff;
	_ =	sdelay $0x3  }
0x97: {  	vm4 =	vlt.u32 v0, $0xC320  }
0x98: {  	v0 =	vsel vm4, v1, v41  }
0x99: {  	[tilespmem:s26+$0xFFFFFFC0] =	vst v0  }
0x9a: {  	v0 =	vld [tilespmem:s28+$0xFFFFFFD0];
	_ =	sdelay $0x4  }
0x9b: {  	v0 =	vadd.s32 $0xFFFF3C80, v0  }
0x9c: {  	v42 =	vmin.u32 v0, $0xC31F;
	_ =	sdelay $0x3  }
0x9d: {  	v43 =	vld [tilespmem:s26+$0xFFFFFFD0]  }
0x9e: {  	v1 =	vld.idx.msk [tilespmem:v42+s12+$0x0], $0xffff;
	_ =	sdelay $0x3  }
0x9f: {  	vm5 =	vlt.u32 v0, $0xC320  }
0xa0: {  	v0 =	vsel vm5, v1, v43  }
0xa1: {  	[tilespmem:s26+$0xFFFFFFD0] =	vst v0  }
0xa2: {  	v0 =	vld [tilespmem:s28+$0xFFFFFFE0];
	_ =	sdelay $0x4  }
0xa3: {  	v0 =	vadd.s32 $0xFFFF3C80, v0  }
0xa4: {  	v44 =	vmin.u32 v0, $0xC31F;
	_ =	sdelay $0x3  }
0xa5: {  	v45 =	vld [tilespmem:s26+$0xFFFFFFE0]  }
0xa6: {  	v1 =	vld.idx.msk [tilespmem:v44+s12+$0x0], $0xffff;
	_ =	sdelay $0x3  }
0xa7: {  	vm6 =	vlt.u32 v0, $0xC320  }
0xa8: {  	v0 =	vsel vm6, v1, v45  }
0xa9: {  	[tilespmem:s26+$0xFFFFFFE0] =	vst v0  }
0xaa: {  	v0 =	vld [tilespmem:s28+$0xFFFFFFF0];
	_ =	sdelay $0x4  }
0xab: {  	v0 =	vadd.s32 $0xFFFF3C80, v0  }
0xac: {  	v46 =	vmin.u32 v0, $0xC31F;
	_ =	sdelay $0x3  }
0xad: {  	v47 =	vld [tilespmem:s26+$0xFFFFFFF0]  }
0xae: {  	v1 =	vld.idx.msk [tilespmem:v46+s12+$0x0], $0xffff;
	_ =	sdelay $0x3  }
0xaf: {  	vm7 =	vlt.u32 v0, $0xC320  }
0xb0: {  	v0 =	vsel vm7, v1, v47  }
0xb1: {  	[tilespmem:s26+$0xFFFFFFF0] =	vst v0  }
0xb2: {  	v0 =	vld [tilespmem:s28+$0x0];
	_ =	sdelay $0x4  }
0xb3: {  	v0 =	vadd.s32 $0xFFFF3C80, v0  }
0xb4: {  	v48 =	vmin.u32 v0, $0xC31F;
	_ =	sdelay $0x3  }
0xb5: {  	v49 =	vld [tilespmem:s26+$0x0]  }
0xb6: {  	v1 =	vld.idx.msk [tilespmem:v48+s12+$0x0], $0xffff;
	_ =	sdelay $0x3  }
0xb7: {  	vm8 =	vlt.u32 v0, $0xC320  }
0xb8: {  	v0 =	vsel vm8, v1, v49  }
0xb9: {  	[tilespmem:s26+$0x0] =	vst v0  }
0xba: {  	v0 =	vld [tilespmem:s28+$0x10];
	_ =	sdelay $0x4  }
0xbb: {  	v0 =	vadd.s32 $0xFFFF3C80, v0  }
0xbc: {  	v50 =	vmin.u32 v0, $0xC31F;
	_ =	sdelay $0x3  }
0xbd: {  	v51 =	vld [tilespmem:s26+$0x10]  }
0xbe: {  	v1 =	vld.idx.msk [tilespmem:v50+s12+$0x0], $0xffff;
	_ =	sdelay $0x3  }
0xbf: {  	vm9 =	vlt.u32 v0, $0xC320  }
0xc0: {  	v0 =	vsel vm9, v1, v51  }
0xc1: {  	[tilespmem:s26+$0x10] =	vst v0  }
0xc2: {  	v0 =	vld [tilespmem:s28+$0x20];
	_ =	sdelay $0x4  }
0xc3: {  	v0 =	vadd.s32 $0xFFFF3C80, v0  }
0xc4: {  	v52 =	vmin.u32 v0, $0xC31F;
	_ =	sdelay $0x3  }
0xc5: {  	v53 =	vld [tilespmem:s26+$0x20]  }
0xc6: {  	v1 =	vld.idx.msk [tilespmem:v52+s12+$0x0], $0xffff;
	_ =	sdelay $0x3  }
0xc7: {  	vm10 =	vlt.u32 v0, $0xC320  }
0xc8: {  	v0 =	vsel vm10, v1, v53  }
0xc9: {  	[tilespmem:s26+$0x20] =	vst v0  }
0xca: {  	v0 =	vld [tilespmem:s28+$0x30];
	_ =	sdelay $0x4  }
0xcb: {  	v0 =	vadd.s32 $0xFFFF3C80, v0  }
0xcc: {  	v54 =	vmin.u32 v0, $0xC31F;
	_ =	sdelay $0x3  }
0xcd: {  	v55 =	vld [tilespmem:s26+$0x30]  }
0xce: {  	v1 =	vld.idx.msk [tilespmem:v54+s12+$0x0], $0xffff;
	_ =	sdelay $0x3  }
0xcf: {  	vm11 =	vlt.u32 v0, $0xC320  }
0xd0: {  	v0 =	vsel vm11, v1, v55  }
0xd1: {  	[tilespmem:s26+$0x30] =	vst v0  }
0xd2: {  	v0 =	vld [tilespmem:s28+$0x40];
	_ =	sdelay $0x4  }
0xd3: {  	v0 =	vadd.s32 $0xFFFF3C80, v0  }
0xd4: {  	v56 =	vmin.u32 v0, $0xC31F;
	_ =	sdelay $0x3  }
0xd5: {  	v57 =	vld [tilespmem:s26+$0x40]  }
0xd6: {  	v1 =	vld.idx.msk [tilespmem:v56+s12+$0x0], $0xffff;
	_ =	sdelay $0x3  }
0xd7: {  	vm12 =	vlt.u32 v0, $0xC320  }
0xd8: {  	v0 =	vsel vm12, v1, v57  }
0xd9: {  	[tilespmem:s26+$0x40] =	vst v0  }
0xda: {  	v0 =	vld [tilespmem:s28+$0x50];
	_ =	sdelay $0x4  }
0xdb: {  	v0 =	vadd.s32 $0xFFFF3C80, v0  }
0xdc: {  	v58 =	vmin.u32 v0, $0xC31F;
	_ =	sdelay $0x3  }
0xdd: {  	v59 =	vld [tilespmem:s26+$0x50]  }
0xde: {  	v1 =	vld.idx.msk [tilespmem:v58+s12+$0x0], $0xffff;
	_ =	sdelay $0x3  }
0xdf: {  	vm13 =	vlt.u32 v0, $0xC320  }
0xe0: {  	v0 =	vsel vm13, v1, v59  }
0xe1: {  	[tilespmem:s26+$0x50] =	vst v0  }
0xe2: {  	v0 =	vld [tilespmem:s28+$0x60];
	_ =	sdelay $0x4  }
0xe3: {  	v0 =	vadd.s32 $0xFFFF3C80, v0  }
0xe4: {  	v60 =	vmin.u32 v0, $0xC31F;
	_ =	sdelay $0x3  }
0xe5: {  	v61 =	vld [tilespmem:s26+$0x60]  }
0xe6: {  	v1 =	vld.idx.msk [tilespmem:v60+s12+$0x0], $0xffff;
	_ =	sdelay $0x3  }
0xe7: {  	vm14 =	vlt.u32 v0, $0xC320  }
0xe8: {  	v0 =	vsel vm14, v1, v61  }
0xe9: {  	[tilespmem:s26+$0x60] =	vst v0  }
0xea: {  	v0 =	vld [tilespmem:s28+$0x70];
	_ =	sdelay $0x4  }
0xeb: {  	v0 =	vadd.s32 $0xFFFF3C80, v0  }
0xec: {  	v62 =	vmin.u32 v0, $0xC31F;
	_ =	sdelay $0x3  }
0xed: {  	v63 =	vld [tilespmem:s26+$0x70]  }
0xee: {  	s25 =	sadd.s32 $0x10, s25;
	v1 =	vld.idx.msk [tilespmem:v62+s12+$0x0], $0xffff  }
0xef: {  	p0 =	slt.u32 s25, $0xF0  }
.Ltmp1:
0xf0: {  	_ = 	snop;
	(pc) =	sbr.rel @p0 .LBB2_5-.Ltmp1, $4  }
0xf1: {  	_ = 	snop  }
0xf2: {  	vm15 =	vlt.u32 v0, $0xC320  }
0xf3: {  	v0 =	vsel vm15, v1, v63  }
0xf4: {  	s28 =	sadd.s32 $0x100, s28;
	[tilespmem:s26+$0x70] =	vst v0;
	s26 =	sadd.s32 $0x100, s26  }
0xf5: {  	s23 =	sadd.s32 s24, s23  }
0xf6: {  	s23 =	sadd.s32 $0x61C00, s23  }
0xf7: {  	s29 =	sshll.u32 s22, $0x4;
	s23 =	sshrl.u32 s23, $0x3  }
0xf8: {  	s30 =	sshll.u32 s22, $0x9;
	s25 =	sand.u32 $0x60, s29;
	s23 =	sadd.s32 s2, s23  }
0xf9: {  	[tilespmem:s12], [sflag:$0x2] =	stream.strided.gather [hbm4b:s23+s10], $0xC380, s11, s10, $0x38;
	[tilespmem:$0x1B700] =	vst v63  }
0xfa: {  	s31 =	sadd.s32 s5, s25;
	s23 =	sand.u32 $0xFFFF000, s30  }
0xfb: {  	s24 =	sadd.s32 s23, s31  }
0xfc: {  	[hbm4b:s24+s10] =	stream.strided.scatter [tilespmem:s15], [sflag:$0x3], $0x1000, s11, s10, $0x38;
	[tilespmem:$0x1B700] =	vst v63  }
0xfd: {  	_ =	swait.ge [sflag:s13], $0xC380  }
0xfe: {  	s26 =	simm.s32 $0x18780;
	[sflag:s13] =	ssyncset.done $0x0  }
0xff: {  	s25 =	simm.s32 $0x1A780;
	s24 =	simm.s32 $0xFFFFFFF0;
	[sflag:s13] =	ssyncadd.s32 $0xFFFF3C80  }
.LBB2_7:
0x100: {  	v0 =	vld [tilespmem:s26+$0xFFFFFF80];
	_ =	sdelay $0x4  }
0x101: {  	v0 =	vmin.u32 v0, $0xC37F;
	_ =	sdelay $0x4  }
0x102: {  	v0 =	vld.idx.msk [tilespmem:v0+s6+$0x0], $0xffff;
	_ =	sdelay $0x4  }
0x103: {  	[tilespmem:s25+$0xFFFFFF80] =	vst v0  }
0x104: {  	v0 =	vld [tilespmem:s26+$0xFFFFFF90];
	_ =	sdelay $0x4  }
0x105: {  	v0 =	vmin.u32 v0, $0xC37F;
	_ =	sdelay $0x4  }
0x106: {  	v0 =	vld.idx.msk [tilespmem:v0+s6+$0x0], $0xffff;
	_ =	sdelay $0x4  }
0x107: {  	[tilespmem:s25+$0xFFFFFF90] =	vst v0  }
0x108: {  	v0 =	vld [tilespmem:s26+$0xFFFFFFA0];
	_ =	sdelay $0x4  }
0x109: {  	v0 =	vmin.u32 v0, $0xC37F;
	_ =	sdelay $0x4  }
0x10a: {  	v0 =	vld.idx.msk [tilespmem:v0+s6+$0x0], $0xffff;
	_ =	sdelay $0x4  }
0x10b: {  	[tilespmem:s25+$0xFFFFFFA0] =	vst v0  }
0x10c: {  	v0 =	vld [tilespmem:s26+$0xFFFFFFB0];
	_ =	sdelay $0x4  }
0x10d: {  	v0 =	vmin.u32 v0, $0xC37F;
	_ =	sdelay $0x4  }
0x10e: {  	v0 =	vld.idx.msk [tilespmem:v0+s6+$0x0], $0xffff;
	_ =	sdelay $0x4  }
0x10f: {  	[tilespmem:s25+$0xFFFFFFB0] =	vst v0  }
0x110: {  	v0 =	vld [tilespmem:s26+$0xFFFFFFC0];
	_ =	sdelay $0x4  }
0x111: {  	v0 =	vmin.u32 v0, $0xC37F;
	_ =	sdelay $0x4  }
0x112: {  	v0 =	vld.idx.msk [tilespmem:v0+s6+$0x0], $0xffff;
	_ =	sdelay $0x4  }
0x113: {  	[tilespmem:s25+$0xFFFFFFC0] =	vst v0  }
0x114: {  	v0 =	vld [tilespmem:s26+$0xFFFFFFD0];
	_ =	sdelay $0x4  }
0x115: {  	v0 =	vmin.u32 v0, $0xC37F;
	_ =	sdelay $0x4  }
0x116: {  	v0 =	vld.idx.msk [tilespmem:v0+s6+$0x0], $0xffff;
	_ =	sdelay $0x4  }
0x117: {  	[tilespmem:s25+$0xFFFFFFD0] =	vst v0  }
0x118: {  	v0 =	vld [tilespmem:s26+$0xFFFFFFE0];
	_ =	sdelay $0x4  }
0x119: {  	v0 =	vmin.u32 v0, $0xC37F;
	_ =	sdelay $0x4  }
0x11a: {  	v0 =	vld.idx.msk [tilespmem:v0+s6+$0x0], $0xffff;
	_ =	sdelay $0x4  }
0x11b: {  	[tilespmem:s25+$0xFFFFFFE0] =	vst v0  }
0x11c: {  	v0 =	vld [tilespmem:s26+$0xFFFFFFF0];
	_ =	sdelay $0x4  }
0x11d: {  	v0 =	vmin.u32 v0, $0xC37F;
	_ =	sdelay $0x4  }
0x11e: {  	v0 =	vld.idx.msk [tilespmem:v0+s6+$0x0], $0xffff;
	_ =	sdelay $0x4  }
0x11f: {  	[tilespmem:s25+$0xFFFFFFF0] =	vst v0  }
0x120: {  	v0 =	vld [tilespmem:s26+$0x0];
	_ =	sdelay $0x4  }
0x121: {  	v0 =	vmin.u32 v0, $0xC37F;
	_ =	sdelay $0x4  }
0x122: {  	v0 =	vld.idx.msk [tilespmem:v0+s6+$0x0], $0xffff;
	_ =	sdelay $0x4  }
0x123: {  	[tilespmem:s25+$0x0] =	vst v0  }
0x124: {  	v0 =	vld [tilespmem:s26+$0x10];
	_ =	sdelay $0x4  }
0x125: {  	v0 =	vmin.u32 v0, $0xC37F;
	_ =	sdelay $0x4  }
0x126: {  	v0 =	vld.idx.msk [tilespmem:v0+s6+$0x0], $0xffff;
	_ =	sdelay $0x4  }
0x127: {  	[tilespmem:s25+$0x10] =	vst v0  }
0x128: {  	v0 =	vld [tilespmem:s26+$0x20];
	_ =	sdelay $0x4  }
0x129: {  	v0 =	vmin.u32 v0, $0xC37F;
	_ =	sdelay $0x4  }
0x12a: {  	v0 =	vld.idx.msk [tilespmem:v0+s6+$0x0], $0xffff;
	_ =	sdelay $0x4  }
0x12b: {  	[tilespmem:s25+$0x20] =	vst v0  }
0x12c: {  	v0 =	vld [tilespmem:s26+$0x30];
	_ =	sdelay $0x4  }
0x12d: {  	v0 =	vmin.u32 v0, $0xC37F;
	_ =	sdelay $0x4  }
0x12e: {  	v0 =	vld.idx.msk [tilespmem:v0+s6+$0x0], $0xffff;
	_ =	sdelay $0x4  }
0x12f: {  	[tilespmem:s25+$0x30] =	vst v0  }
0x130: {  	v0 =	vld [tilespmem:s26+$0x40];
	_ =	sdelay $0x4  }
0x131: {  	v0 =	vmin.u32 v0, $0xC37F;
	_ =	sdelay $0x4  }
0x132: {  	v0 =	vld.idx.msk [tilespmem:v0+s6+$0x0], $0xffff;
	_ =	sdelay $0x4  }
0x133: {  	[tilespmem:s25+$0x40] =	vst v0  }
0x134: {  	v0 =	vld [tilespmem:s26+$0x50];
	_ =	sdelay $0x4  }
0x135: {  	v0 =	vmin.u32 v0, $0xC37F;
	_ =	sdelay $0x4  }
0x136: {  	v0 =	vld.idx.msk [tilespmem:v0+s6+$0x0], $0xffff;
	_ =	sdelay $0x4  }
0x137: {  	[tilespmem:s25+$0x50] =	vst v0  }
0x138: {  	v0 =	vld [tilespmem:s26+$0x60];
	_ =	sdelay $0x4  }
0x139: {  	v0 =	vmin.u32 v0, $0xC37F;
	_ =	sdelay $0x4  }
0x13a: {  	v0 =	vld.idx.msk [tilespmem:v0+s6+$0x0], $0xffff;
	_ =	sdelay $0x4  }
0x13b: {  	[tilespmem:s25+$0x60] =	vst v0  }
0x13c: {  	v0 =	vld [tilespmem:s26+$0x70];
	_ =	sdelay $0x4  }
0x13d: {  	v0 =	vmin.u32 v0, $0xC37F;
	_ =	sdelay $0x3  }
0x13e: {  	s24 =	sadd.s32 $0x10, s24  }
0x13f: {  	p0 =	slt.u32 s24, $0xF0;
	v0 =	vld.idx.msk [tilespmem:v0+s6+$0x0], $0xffff  }
.Ltmp2:
0x140: {  	_ = 	snop;
	(pc) =	sbr.rel @p0 .LBB2_7-.Ltmp2, $2  }
0x141: {  	_ =	sdelay $0x2  }
0x142: {  	s26 =	sadd.s32 $0x100, s26;
	[tilespmem:s25+$0x70] =	vst v0;
	s25 =	sadd.s32 $0x100, s25  }
0x143: {  	s22 =	smin.u32 s22, $0x33D  }
0x144: {  	s22 =	sadd.s32 $0x2, s22  }
0x145: {  	s24 =	sshrl.u32 s22, $0x5;
	s25 =	sshrl.u32 s22, $0x3  }
0x146: {  	s25 =	sand.u32 $0x3, s25;
	s24 =	smul.u32 $0x30E000, s24  }
0x147: {  	s25 =	smul.u32 $0xC3800, s25  }
0x148: {  	s26 =	sshll.u32 s22, $0x7  }
0x149: {  	s22 =	sadd.s32 s24, s25;
	s24 =	sand.u32 $0x380, s26  }
0x14a: {  	s25 =	sor.u32 s24, s22  }
0x14b: {  	s25 =	sshrl.u32 s25, $0x3  }
0x14c: {  	s25 =	sadd.s32 s2, s25  }
0x14d: {  	[tilespmem:s6], [sflag:$0x1] =	stream.strided.gather [hbm4b:s25+s10], $0xC380, s11, s10, $0x38;
	[tilespmem:$0x1B700] =	vst v63  }
0x14e: {  	_ =	swait.ge [sflag:s14], $0xC380  }
0x14f: {  	s28 =	simm.s32 $0x18780;
	[sflag:s14] =	ssyncset.done $0x0  }
0x150: {  	s26 =	simm.s32 $0x1A780;
	s25 =	simm.s32 $0xFFFFFFF0;
	[sflag:s14] =	ssyncadd.s32 $0xFFFF3C80  }
.LBB2_9:
0x151: {  	v0 =	vld [tilespmem:s28+$0xFFFFFF80];
	_ =	sdelay $0x4  }
0x152: {  	v0 =	vadd.s32 $0xFFFF3C80, v0  }
0x153: {  	v1 =	vmin.u32 v0, $0xC31F;
	_ =	sdelay $0x3  }
0x154: {  	v2 =	vld [tilespmem:s26+$0xFFFFFF80]  }
0x155: {  	v1 =	vld.idx.msk [tilespmem:v1+s12+$0x0], $0xffff;
	_ =	sdelay $0x3  }
0x156: {  	vm0 =	vlt.u32 v0, $0xC320  }
0x157: {  	v0 =	vsel vm0, v1, v2  }
0x158: {  	[tilespmem:s26+$0xFFFFFF80] =	vst v0  }
0x159: {  	v0 =	vld [tilespmem:s28+$0xFFFFFF90];
	_ =	sdelay $0x4  }
0x15a: {  	v0 =	vadd.s32 $0xFFFF3C80, v0  }
0x15b: {  	v34 =	vmin.u32 v0, $0xC31F;
	_ =	sdelay $0x3  }
0x15c: {  	v35 =	vld [tilespmem:s26+$0xFFFFFF90]  }
0x15d: {  	v1 =	vld.idx.msk [tilespmem:v34+s12+$0x0], $0xffff;
	_ =	sdelay $0x3  }
0x15e: {  	vm13 =	vlt.u32 v0, $0xC320  }
0x15f: {  	v0 =	vsel vm13, v1, v35  }
0x160: {  	[tilespmem:s26+$0xFFFFFF90] =	vst v0  }
0x161: {  	v0 =	vld [tilespmem:s28+$0xFFFFFFA0];
	_ =	sdelay $0x4  }
0x162: {  	v0 =	vadd.s32 $0xFFFF3C80, v0  }
0x163: {  	v36 =	vmin.u32 v0, $0xC31F;
	_ =	sdelay $0x3  }
0x164: {  	v37 =	vld [tilespmem:s26+$0xFFFFFFA0]  }
0x165: {  	v1 =	vld.idx.msk [tilespmem:v36+s12+$0x0], $0xffff;
	_ =	sdelay $0x3  }
0x166: {  	vm14 =	vlt.u32 v0, $0xC320  }
0x167: {  	v0 =	vsel vm14, v1, v37  }
0x168: {  	[tilespmem:s26+$0xFFFFFFA0] =	vst v0  }
0x169: {  	v0 =	vld [tilespmem:s28+$0xFFFFFFB0];
	_ =	sdelay $0x4  }
0x16a: {  	v0 =	vadd.s32 $0xFFFF3C80, v0  }
0x16b: {  	v38 =	vmin.u32 v0, $0xC31F;
	_ =	sdelay $0x3  }
0x16c: {  	v39 =	vld [tilespmem:s26+$0xFFFFFFB0]  }
0x16d: {  	v1 =	vld.idx.msk [tilespmem:v38+s12+$0x0], $0xffff;
	_ =	sdelay $0x3  }
0x16e: {  	vm15 =	vlt.u32 v0, $0xC320  }
0x16f: {  	v0 =	vsel vm15, v1, v39  }
0x170: {  	[tilespmem:s26+$0xFFFFFFB0] =	vst v0  }
0x171: {  	v0 =	vld [tilespmem:s28+$0xFFFFFFC0];
	_ =	sdelay $0x4  }
0x172: {  	v0 =	vadd.s32 $0xFFFF3C80, v0  }
0x173: {  	v40 =	vmin.u32 v0, $0xC31F;
	_ =	sdelay $0x3  }
0x174: {  	v41 =	vld [tilespmem:s26+$0xFFFFFFC0]  }
0x175: {  	v1 =	vld.idx.msk [tilespmem:v40+s12+$0x0], $0xffff;
	_ =	sdelay $0x3  }
0x176: {  	vm4 =	vlt.u32 v0, $0xC320  }
0x177: {  	v0 =	vsel vm4, v1, v41  }
0x178: {  	[tilespmem:s26+$0xFFFFFFC0] =	vst v0  }
0x179: {  	v0 =	vld [tilespmem:s28+$0xFFFFFFD0];
	_ =	sdelay $0x4  }
0x17a: {  	v0 =	vadd.s32 $0xFFFF3C80, v0  }
0x17b: {  	v42 =	vmin.u32 v0, $0xC31F;
	_ =	sdelay $0x3  }
0x17c: {  	v43 =	vld [tilespmem:s26+$0xFFFFFFD0]  }
0x17d: {  	v1 =	vld.idx.msk [tilespmem:v42+s12+$0x0], $0xffff;
	_ =	sdelay $0x3  }
0x17e: {  	vm5 =	vlt.u32 v0, $0xC320  }
0x17f: {  	v0 =	vsel vm5, v1, v43  }
0x180: {  	[tilespmem:s26+$0xFFFFFFD0] =	vst v0  }
0x181: {  	v0 =	vld [tilespmem:s28+$0xFFFFFFE0];
	_ =	sdelay $0x4  }
0x182: {  	v0 =	vadd.s32 $0xFFFF3C80, v0  }
0x183: {  	v44 =	vmin.u32 v0, $0xC31F;
	_ =	sdelay $0x3  }
0x184: {  	v45 =	vld [tilespmem:s26+$0xFFFFFFE0]  }
0x185: {  	v1 =	vld.idx.msk [tilespmem:v44+s12+$0x0], $0xffff;
	_ =	sdelay $0x3  }
0x186: {  	vm6 =	vlt.u32 v0, $0xC320  }
0x187: {  	v0 =	vsel vm6, v1, v45  }
0x188: {  	[tilespmem:s26+$0xFFFFFFE0] =	vst v0  }
0x189: {  	v0 =	vld [tilespmem:s28+$0xFFFFFFF0];
	_ =	sdelay $0x4  }
0x18a: {  	v0 =	vadd.s32 $0xFFFF3C80, v0  }
0x18b: {  	v46 =	vmin.u32 v0, $0xC31F;
	_ =	sdelay $0x3  }
0x18c: {  	v47 =	vld [tilespmem:s26+$0xFFFFFFF0]  }
0x18d: {  	v1 =	vld.idx.msk [tilespmem:v46+s12+$0x0], $0xffff;
	_ =	sdelay $0x3  }
0x18e: {  	vm7 =	vlt.u32 v0, $0xC320  }
0x18f: {  	v0 =	vsel vm7, v1, v47  }
0x190: {  	[tilespmem:s26+$0xFFFFFFF0] =	vst v0  }
0x191: {  	v0 =	vld [tilespmem:s28+$0x0];
	_ =	sdelay $0x4  }
0x192: {  	v0 =	vadd.s32 $0xFFFF3C80, v0  }
0x193: {  	v48 =	vmin.u32 v0, $0xC31F;
	_ =	sdelay $0x3  }
0x194: {  	v49 =	vld [tilespmem:s26+$0x0]  }
0x195: {  	v1 =	vld.idx.msk [tilespmem:v48+s12+$0x0], $0xffff;
	_ =	sdelay $0x3  }
0x196: {  	vm8 =	vlt.u32 v0, $0xC320  }
0x197: {  	v0 =	vsel vm8, v1, v49  }
0x198: {  	[tilespmem:s26+$0x0] =	vst v0  }
0x199: {  	v0 =	vld [tilespmem:s28+$0x10];
	_ =	sdelay $0x4  }
0x19a: {  	v0 =	vadd.s32 $0xFFFF3C80, v0  }
0x19b: {  	v50 =	vmin.u32 v0, $0xC31F;
	_ =	sdelay $0x3  }
0x19c: {  	v51 =	vld [tilespmem:s26+$0x10]  }
0x19d: {  	v1 =	vld.idx.msk [tilespmem:v50+s12+$0x0], $0xffff;
	_ =	sdelay $0x3  }
0x19e: {  	vm9 =	vlt.u32 v0, $0xC320  }
0x19f: {  	v0 =	vsel vm9, v1, v51  }
0x1a0: {  	[tilespmem:s26+$0x10] =	vst v0  }
0x1a1: {  	v0 =	vld [tilespmem:s28+$0x20];
	_ =	sdelay $0x4  }
0x1a2: {  	v0 =	vadd.s32 $0xFFFF3C80, v0  }
0x1a3: {  	v52 =	vmin.u32 v0, $0xC31F;
	_ =	sdelay $0x3  }
0x1a4: {  	v53 =	vld [tilespmem:s26+$0x20]  }
0x1a5: {  	v1 =	vld.idx.msk [tilespmem:v52+s12+$0x0], $0xffff;
	_ =	sdelay $0x3  }
0x1a6: {  	vm10 =	vlt.u32 v0, $0xC320  }
0x1a7: {  	v0 =	vsel vm10, v1, v53  }
0x1a8: {  	[tilespmem:s26+$0x20] =	vst v0  }
0x1a9: {  	v0 =	vld [tilespmem:s28+$0x30];
	_ =	sdelay $0x4  }
0x1aa: {  	v0 =	vadd.s32 $0xFFFF3C80, v0  }
0x1ab: {  	v54 =	vmin.u32 v0, $0xC31F;
	_ =	sdelay $0x3  }
0x1ac: {  	v55 =	vld [tilespmem:s26+$0x30]  }
0x1ad: {  	v1 =	vld.idx.msk [tilespmem:v54+s12+$0x0], $0xffff;
	_ =	sdelay $0x3  }
0x1ae: {  	vm11 =	vlt.u32 v0, $0xC320  }
0x1af: {  	v0 =	vsel vm11, v1, v55  }
0x1b0: {  	[tilespmem:s26+$0x30] =	vst v0  }
0x1b1: {  	v0 =	vld [tilespmem:s28+$0x40];
	_ =	sdelay $0x4  }
0x1b2: {  	v0 =	vadd.s32 $0xFFFF3C80, v0  }
0x1b3: {  	v56 =	vmin.u32 v0, $0xC31F;
	_ =	sdelay $0x3  }
0x1b4: {  	v57 =	vld [tilespmem:s26+$0x40]  }
0x1b5: {  	v1 =	vld.idx.msk [tilespmem:v56+s12+$0x0], $0xffff;
	_ =	sdelay $0x3  }
0x1b6: {  	vm12 =	vlt.u32 v0, $0xC320  }
0x1b7: {  	v0 =	vsel vm12, v1, v57  }
0x1b8: {  	[tilespmem:s26+$0x40] =	vst v0  }
0x1b9: {  	v0 =	vld [tilespmem:s28+$0x50];
	_ =	sdelay $0x4  }
0x1ba: {  	v0 =	vadd.s32 $0xFFFF3C80, v0  }
0x1bb: {  	v58 =	vmin.u32 v0, $0xC31F;
	_ =	sdelay $0x3  }
0x1bc: {  	v59 =	vld [tilespmem:s26+$0x50]  }
0x1bd: {  	v1 =	vld.idx.msk [tilespmem:v58+s12+$0x0], $0xffff;
	_ =	sdelay $0x3  }
0x1be: {  	vm13 =	vlt.u32 v0, $0xC320  }
0x1bf: {  	v0 =	vsel vm13, v1, v59  }
0x1c0: {  	[tilespmem:s26+$0x50] =	vst v0  }
0x1c1: {  	v0 =	vld [tilespmem:s28+$0x60];
	_ =	sdelay $0x4  }
0x1c2: {  	v0 =	vadd.s32 $0xFFFF3C80, v0  }
0x1c3: {  	v60 =	vmin.u32 v0, $0xC31F;
	_ =	sdelay $0x3  }
0x1c4: {  	v61 =	vld [tilespmem:s26+$0x60]  }
0x1c5: {  	v1 =	vld.idx.msk [tilespmem:v60+s12+$0x0], $0xffff;
	_ =	sdelay $0x3  }
0x1c6: {  	vm14 =	vlt.u32 v0, $0xC320  }
0x1c7: {  	v0 =	vsel vm14, v1, v61  }
0x1c8: {  	[tilespmem:s26+$0x60] =	vst v0  }
0x1c9: {  	v0 =	vld [tilespmem:s28+$0x70];
	_ =	sdelay $0x4  }
0x1ca: {  	v0 =	vadd.s32 $0xFFFF3C80, v0  }
0x1cb: {  	v62 =	vmin.u32 v0, $0xC31F;
	_ =	sdelay $0x3  }
0x1cc: {  	v63 =	vld [tilespmem:s26+$0x70]  }
0x1cd: {  	s25 =	sadd.s32 $0x10, s25;
	v1 =	vld.idx.msk [tilespmem:v62+s12+$0x0], $0xffff  }
0x1ce: {  	p0 =	slt.u32 s25, $0xF0  }
.Ltmp3:
0x1cf: {  	_ = 	snop;
	(pc) =	sbr.rel @p0 .LBB2_9-.Ltmp3, $4  }
0x1d0: {  	_ = 	snop  }
0x1d1: {  	vm15 =	vlt.u32 v0, $0xC320  }
0x1d2: {  	v0 =	vsel vm15, v1, v63  }
0x1d3: {  	s28 =	sadd.s32 $0x100, s28;
	[tilespmem:s26+$0x70] =	vst v0;
	s26 =	sadd.s32 $0x100, s26  }
0x1d4: {  	s22 =	sadd.s32 s24, s22;
	s19 =	sadd.s32 $0x1, s19  }
0x1d5: {  	s22 =	sadd.s32 $0x61C00, s22;
	p0 =	sne.s32 s19, $0xD  }
.Ltmp4:
0x1d6: {  	s21 =	sshll.u32 s21, $0x4;
	s22 =	sshrl.u32 s22, $0x3;
	(pc) =	sbr.rel @p0 .LBB2_2-.Ltmp4, $4  }
0x1d7: {  	s31 =	sadd.s32 s5, s23;
	s21 =	sand.u32 $0x70, s21;
	s22 =	sadd.s32 s2, s22  }
0x1d8: {  	[tilespmem:s12], [sflag:$0x2] =	stream.strided.gather [hbm4b:s22+s10], $0xC380, s11, s10, $0x38;
	[tilespmem:$0x1B700] =	vst v63  }
0x1d9: {  	s21 =	sadd.s32 s21, s31  }
0x1da: {  	[hbm4b:s21+s10] =	stream.strided.scatter [tilespmem:s16], [sflag:$0x3], $0x1000, s11, s10, $0x38;
	[tilespmem:$0x1B700] =	vst v63  }
0x1db: {  	_ =	swait.ge [sflag:s13], $0xC380  }
0x1dc: {  	[sflag:s13] =	ssyncset.done $0x0  }
0x1dd: {  	[sflag:s13] =	ssyncadd.s32 $0xFFFF3C80  }
0x1de: {  	_ =	swait.ge [sflag:s14], $0xC380  }
0x1df: {  	[sflag:s14] =	ssyncset.done $0x0  }
0x1e0: {  	s18 =	sadd.s32 $0x1, s18;
	[sflag:s14] =	ssyncadd.s32 $0xFFFF3C80  }
0x1e1: {  	p0 =	sne.s32 s18, s9;
	_ =	swait.ge [sflag:s17], $0x1000  }
.Ltmp5:
0x1e2: {  	[sflag:s17] =	ssyncset.done $0x0;
	(pc) =	sbr.rel @p0 .LBB2_1-.Ltmp5, $4  }
0x1e3: {  	[sflag:s17] =	ssyncadd.s32 $0xFFFFF000  }
0x1e4: {  	_ =	swait.ge [sflag:s17], $0x1000  }
0x1e5: {  	[sflag:s17] =	ssyncset.done $0x0  }
0x1e6: {  	[sflag:s17] =	ssyncadd.s32 $0xFFFFF000  }
0x1e7: {  	_ =	sfence.sel $0x180000  }
0x1e8: {  	[bflag:$0x0] =	sbarrier.arrive $0xFFFF  }
0x1e9: {  	p0 =	sne.s32 s0, $0x0;
	_ =	strace $0x90000047  }
0x1ea: {  	s0 =	sadd.s32 @!p0 $0x100000, s3;
	[bflag:$0x2] =	sbarrier.arrive $0xFFFF  }
0x1eb: {  	[sflag:s0] =	ssyncadd.tile.s32 @!p0 $0x1;
	_ =	shalt  }
.Lfunc_end2:
_tile_overlayer_lowered:
.L_overlay_start_2:
0x1ec: {  	(tag) =	ssettag $0x2  }
0x1ed: {  	s0 =	rddreg [dreg:$0x0];
	s2 =	stileid.u32  }
0x1ee: {  	s1 =	rddreg [dreg:$0x1];
	p0 =	sne.s32 s2, $0x0  }
0x1ef: {  	s3 =	rddreg [dreg:$0x2];
	[bflag:$0x3] =	sbarrier.arrive $0xFFFF;
	s2 =	simm.s32 @!p0 $0x1C04  }
0x1f0: {  	[timem:s3], [sflag:s2] =	dma.local @!p0 [hbm:s0], s1  }
0x1f1: {  	s0 =	simm.s32 @!p0 $0x4  }
0x1f2: {  	_ =	swait.ge @!p0 [sflag:s0], s1  }
0x1f3: {  	s1 =	ssub.s32 @!p0 $0x0, s1;
	[sflag:s0] =	ssyncset.done @!p0 $0x0  }
0x1f4: {  	[sflag:s0] =	ssyncadd.s32 @!p0 s1  }
0x1f5: {  	[bflag:$0x3] =	sbarrier.arrive $0xFFFF  }
0x1f6: {  	_ =	shalt  }

</sc_bundles>
